<compile_context>
chip_gen: v7x
topology: tpu7x:2x2x1
jax: 0.10.2.dev20260603
libtpu: 0.0.44.dev20260713+nightly
codegen_flags: <defaults>
</compile_context>

<pallas_src>
import functools

import jax
import jax.numpy as jnp
from jax import lax
from jax.experimental import pallas as pl
from jax.experimental.pallas import tpu as pltpu
from jax.experimental.pallas import tpu_sc as plsc

N_VOCAB = 100000
EMBED_DIM = 64
BATCH = 4096
HIST = 50

NC = 2
NS = 16
NW = NC * NS
BT = BATCH // NW

_mesh = plsc.VectorSubcoreMesh(core_axis_name="c", subcore_axis_name="s")


@functools.partial(
    pl.kernel,
    mesh=_mesh,
    out_type=jax.ShapeDtypeStruct((HIST, 8, NW, 8, 128), jnp.float32),
    scratch_types=[
        pltpu.VMEM((HIST, BT), jnp.int32),
        pltpu.VMEM((2, BT, EMBED_DIM), jnp.float32),
        pltpu.VMEM((2, 8, 8, 133), jnp.float32),
        [pltpu.SemaphoreType.DMA] * 2,
        [pltpu.SemaphoreType.DMA] * 2,
    ],
    compiler_params=pltpu.CompilerParams(
        use_tc_tiling_on_sc=False, needs_layout_passes=False),
)
def _embed_lookup(xt_hbm, table_hbm, out_hbm, idx_v, rows_v, tile_v,
                  gsems, ssems):
    wid = lax.axis_index("s") * NC + lax.axis_index("c")
    pltpu.sync_copy(xt_hbm.at[:, pl.ds(wid * BT, BT)], idx_v)

    iota16 = lax.iota(jnp.int32, 16)
    tevs = [(iota16 + 16 * c) >> 3 for c in range(4)]
    eevs = [(iota16 + 16 * c) & 7 for c in range(4)]

    def fire(h, b):
        pltpu.async_copy(table_hbm.at[idx_v.at[h]], rows_v.at[b], gsems[b])

    def wait_gather(h, b):
        pltpu.make_async_copy(
            table_hbm.at[idx_v.at[h]], rows_v.at[b], gsems[b]).wait()

    def transpose(b):
        @plsc.parallel_loop(0, BT, step=1, unroll=4)
        def _(bp):
            colb = jnp.full((16,), 0, jnp.int32) + bp
            for c in range(4):
                vals = rows_v[b, bp, pl.ds(16 * c, 16)]
                plsc.store_scatter(
                    tile_v.at[b], [tevs[c], eevs[c], colb], vals)

    def start_store(h, b):
        pltpu.async_copy(
            tile_v.at[b, :, :, pl.ds(0, 128)], out_hbm.at[h, :, wid],
            ssems[b])

    def wait_store(h, b):
        pltpu.make_async_copy(
            tile_v.at[b, :, :, pl.ds(0, 128)], out_hbm.at[h, :, wid],
            ssems[b]).wait()

    fire(0, 0)
    fire(1, 1)

    def body(p, carry):
        for b in (0, 1):
            h = 2 * p + b
            wait_gather(h, b)

            @pl.when(p >= 1)
            def _():
                wait_store(h, b)

            transpose(b)
            start_store(h, b)
            fire(h + 2, b)
        return carry

    lax.fori_loop(0, HIST // 2 - 1, body, 0)

    for b in (0, 1):
        h = HIST - 2 + b
        wait_gather(h, b)
        wait_store(h, b)
        transpose(b)
        start_store(h, b)
    for b in (0, 1):
        wait_store(HIST - 2 + b, b)


def kernel(x, weight):
    xt = x.T.astype(jnp.int32)
    out5 = _embed_lookup(xt, weight)
    return out5.transpose(2, 4, 0, 1, 3).reshape(BATCH, HIST, EMBED_DIM)

# --- scband reference (transcript-rebuilt; emitter-appended) ---
"""Pipeline reference for scband-embed-9457517986048 (READ-ONLY COPY).

The authoritative reference and input builder live on the scoring server;
editing this copy changes nothing except your own understanding.
"""

import jax, jax.numpy as jnp
import numpy as np

N_VOCAB = 100000
EMBED_DIM = 64
BATCH = 4096
HIST = 50

def setup_inputs(seed: int = 0) -> dict:
    key = jax.random.key(seed)
    k1, k2 = jax.random.split(key)
    x = jax.random.randint(k1, (BATCH, HIST), 0, N_VOCAB, dtype=jnp.int64 if jax.config.jax_enable_x64 else jnp.int32)
    weight = jax.random.normal(k2, (N_VOCAB, EMBED_DIM), dtype=jnp.float32)
    return {"x": x, "weight": weight}

def reference(x, weight):
    # Embed.forward with index=True: nn.Embedding lookup -> gather rows of the table
    return jnp.take(weight, x, axis=0)

if __name__ == "__main__":
    import jax
    _d = setup_inputs()
    print(jax.jit(kernel)(*tuple(_d.values())))

</pallas_src>

<mosaic_0001>
#map = affine_map<(d0, d1) -> (0, 0)>
#map1 = affine_map<(d0, d1) -> (0, 0, 0, 0, 0)>
module attributes {stable_mosaic.version = 14 : i64} {
  func.func @_embed_lookup(%arg0: i32, %arg1: i32, %arg2: memref<50x4096xi32, #tpu.memory_space<hbm>>, %arg3: memref<100000x64xf32, #tpu.memory_space<hbm>>, %arg4: memref<50x8x32x8x128xf32, #tpu.memory_space<hbm>>, %arg5: memref<50x128xi32, #tpu.memory_space<vmem>>, %arg6: memref<2x128x64xf32, #tpu.memory_space<vmem>>, %arg7: memref<2x8x8x133xf32, #tpu.memory_space<vmem>>, %arg8: memref<!tpu.dma_semaphore, #tpu.memory_space<semaphore_mem>>, %arg9: memref<!tpu.dma_semaphore, #tpu.memory_space<semaphore_mem>>, %arg10: memref<!tpu.dma_semaphore, #tpu.memory_space<semaphore_mem>>, %arg11: memref<!tpu.dma_semaphore, #tpu.memory_space<semaphore_mem>>) attributes {dimension_semantics = [#tpu.dimension_semantics<core_parallel>, #tpu.dimension_semantics<subcore_parallel>], iteration_bounds = array<i64: 2, 16>, scalar_prefetch = 0 : i64, scratch_operands = 7 : i64, tpu.core_type = #tpu.core_type<sc_vector_subcore>, window_params = [{transform_indices = #map}, {transform_indices = #map}, {transform_indices = #map1}]} {
    %mul3A = arith.constant 2 : i32
    %mul3A_0 = arith.muli %arg1, %mul3A : i32
    %add3A = arith.addi %mul3A_0, %arg0 : i32
    %mul3A_1 = arith.constant 128 : i32
    %mul3A_2 = arith.muli %add3A, %mul3A_1 : i32
    "tpu.region"() ({
      %run_scoped3A = tpu.sem_alloc : memref<!tpu.dma_semaphore, #tpu.memory_space<semaphore_mem>>
      %dma_start3A_237 = arith.constant 0 : i32
      %dma_start3A_238 = tpu.memref_slice %arg2[%dma_start3A_237, %mul3A_2] : memref<50x4096xi32, #tpu.memory_space<hbm>> -> memref<50x128xi32, #tpu.memory_space<hbm>>
      %dma_start3A_239 = arith.constant 0 : i32
      %dma_start3A_240 = tpu.memref_slice %arg2[%dma_start3A_239, %mul3A_2] : memref<50x4096xi32, #tpu.memory_space<hbm>> -> memref<50x128xi32, #tpu.memory_space<hbm>>
      tpu.enqueue_dma source(%dma_start3A_240 : memref<50x128xi32, #tpu.memory_space<hbm>>) target(%arg5 : memref<50x128xi32, #tpu.memory_space<vmem>>) target_semaphore(%run_scoped3A : memref<!tpu.dma_semaphore, #tpu.memory_space<semaphore_mem>>)
      %dma_wait3A_241 = arith.constant 0 : i32
      %dma_wait3A_242 = tpu.memref_slice %arg2[%dma_wait3A_241, %mul3A_2] : memref<50x4096xi32, #tpu.memory_space<hbm>> -> memref<50x128xi32, #tpu.memory_space<hbm>>
      %dma_wait3A_243 = arith.constant 0 : i32
      %dma_wait3A_244 = tpu.memref_slice %arg2[%dma_wait3A_243, %mul3A_2] : memref<50x4096xi32, #tpu.memory_space<hbm>> -> memref<50x128xi32, #tpu.memory_space<hbm>>
      tpu.wait_dma2 semaphore(%run_scoped3A : memref<!tpu.dma_semaphore, #tpu.memory_space<semaphore_mem>>) src(%dma_wait3A_244 : memref<50x128xi32, #tpu.memory_space<hbm>>) dst(%arg5 : memref<50x128xi32, #tpu.memory_space<vmem>>)
      tpu.yield
    }) : () -> ()
    %iota3A = tpu.iota {dimensions = array<i32: 0>} : vector<16xi32>
    %add3A_3 = arith.constant 0 : i32
    %add3A_4 = vector.broadcast %add3A_3 : i32 to vector<16xi32>
    %add3A_5 = arith.addi %iota3A, %add3A_4 : vector<16xi32>
    %shift_right_arithmetic3A = arith.constant 3 : i32
    %shift_right_arithmetic3A_6 = vector.broadcast %shift_right_arithmetic3A : i32 to vector<16xi32>
    %shift_right_arithmetic3A_7 = arith.shrsi %add3A_5, %shift_right_arithmetic3A_6 : vector<16xi32>
    %add3A_8 = arith.constant 16 : i32
    %add3A_9 = vector.broadcast %add3A_8 : i32 to vector<16xi32>
    %add3A_10 = arith.addi %iota3A, %add3A_9 : vector<16xi32>
    %shift_right_arithmetic3A_11 = arith.constant 3 : i32
    %shift_right_arithmetic3A_12 = vector.broadcast %shift_right_arithmetic3A_11 : i32 to vector<16xi32>
    %shift_right_arithmetic3A_13 = arith.shrsi %add3A_10, %shift_right_arithmetic3A_12 : vector<16xi32>
    %add3A_14 = arith.constant 32 : i32
    %add3A_15 = vector.broadcast %add3A_14 : i32 to vector<16xi32>
    %add3A_16 = arith.addi %iota3A, %add3A_15 : vector<16xi32>
    %shift_right_arithmetic3A_17 = arith.constant 3 : i32
    %shift_right_arithmetic3A_18 = vector.broadcast %shift_right_arithmetic3A_17 : i32 to vector<16xi32>
    %shift_right_arithmetic3A_19 = arith.shrsi %add3A_16, %shift_right_arithmetic3A_18 : vector<16xi32>
    %add3A_20 = arith.constant 48 : i32
    %add3A_21 = vector.broadcast %add3A_20 : i32 to vector<16xi32>
    %add3A_22 = arith.addi %iota3A, %add3A_21 : vector<16xi32>
    %shift_right_arithmetic3A_23 = arith.constant 3 : i32
    %shift_right_arithmetic3A_24 = vector.broadcast %shift_right_arithmetic3A_23 : i32 to vector<16xi32>
    %shift_right_arithmetic3A_25 = arith.shrsi %add3A_22, %shift_right_arithmetic3A_24 : vector<16xi32>
    %add3A_26 = arith.constant 0 : i32
    %add3A_27 = vector.broadcast %add3A_26 : i32 to vector<16xi32>
    %add3A_28 = arith.addi %iota3A, %add3A_27 : vector<16xi32>
    %and3A = arith.constant 7 : i32
    %and3A_29 = vector.broadcast %and3A : i32 to vector<16xi32>
    %and3A_30 = arith.andi %add3A_28, %and3A_29 : vector<16xi32>
    %add3A_31 = arith.constant 16 : i32
    %add3A_32 = vector.broadcast %add3A_31 : i32 to vector<16xi32>
    %add3A_33 = arith.addi %iota3A, %add3A_32 : vector<16xi32>
    %and3A_34 = arith.constant 7 : i32
    %and3A_35 = vector.broadcast %and3A_34 : i32 to vector<16xi32>
    %and3A_36 = arith.andi %add3A_33, %and3A_35 : vector<16xi32>
    %add3A_37 = arith.constant 32 : i32
    %add3A_38 = vector.broadcast %add3A_37 : i32 to vector<16xi32>
    %add3A_39 = arith.addi %iota3A, %add3A_38 : vector<16xi32>
    %and3A_40 = arith.constant 7 : i32
    %and3A_41 = vector.broadcast %and3A_40 : i32 to vector<16xi32>
    %and3A_42 = arith.andi %add3A_39, %and3A_41 : vector<16xi32>
    %add3A_43 = arith.constant 48 : i32
    %add3A_44 = vector.broadcast %add3A_43 : i32 to vector<16xi32>
    %add3A_45 = arith.addi %iota3A, %add3A_44 : vector<16xi32>
    %and3A_46 = arith.constant 7 : i32
    %and3A_47 = vector.broadcast %and3A_46 : i32 to vector<16xi32>
    %and3A_48 = arith.andi %add3A_45, %and3A_47 : vector<16xi32>
    %dma_start3A = arith.constant 0 : i32
    %dma_start3A_49 = arith.constant 0 : i32
    %dma_start3A_50 = arith.constant 0 : i32
    %dma_start3A_51 = arith.constant 0 : i32
    %dma_start3A_52 = tpu.memref_slice %arg6[%dma_start3A_49, %dma_start3A_50, %dma_start3A_51] : memref<2x128x64xf32, #tpu.memory_space<vmem>> -> memref<1x128x64xf32, #tpu.memory_space<vmem>>
    %dma_start3A_53 = tpu.memref_squeeze %dma_start3A_52 : memref<1x128x64xf32, #tpu.memory_space<vmem>> -> memref<128x64xf32, #tpu.memory_space<vmem>>
    %dma_start3A_54 = arith.constant 0 : i32
    %dma_start3A_55 = tpu.memref_slice %arg5[%dma_start3A, %dma_start3A_54] : memref<50x128xi32, #tpu.memory_space<vmem>> -> memref<1x128xi32, #tpu.memory_space<vmem>>
    %dma_start3A_56 = tpu.memref_squeeze %dma_start3A_55 : memref<1x128xi32, #tpu.memory_space<vmem>> -> memref<128xi32, #tpu.memory_space<vmem>>
    %dma_start3A_57 = arith.constant 0 : i32
    %dma_start3A_58 = arith.constant 0 : i32
    %dma_start3A_59 = tpu.memref_slice %arg3[%dma_start3A_57, %dma_start3A_58] : memref<100000x64xf32, #tpu.memory_space<hbm>> -> memref<100000x64xf32, #tpu.memory_space<hbm>>
    tpu.enqueue_indirect_dma source(%dma_start3A_59 : memref<100000x64xf32, #tpu.memory_space<hbm>>) target(%dma_start3A_53 : memref<128x64xf32, #tpu.memory_space<vmem>>) offsets(%dma_start3A_56 : memref<128xi32, #tpu.memory_space<vmem>>) semaphore(%arg8 : memref<!tpu.dma_semaphore, #tpu.memory_space<semaphore_mem>>)
    %dma_start3A_60 = arith.constant 1 : i32
    %dma_start3A_61 = arith.constant 1 : i32
    %dma_start3A_62 = arith.constant 0 : i32
    %dma_start3A_63 = arith.constant 0 : i32
    %dma_start3A_64 = tpu.memref_slice %arg6[%dma_start3A_61, %dma_start3A_62, %dma_start3A_63] : memref<2x128x64xf32, #tpu.memory_space<vmem>> -> memref<1x128x64xf32, #tpu.memory_space<vmem>>
    %dma_start3A_65 = tpu.memref_squeeze %dma_start3A_64 : memref<1x128x64xf32, #tpu.memory_space<vmem>> -> memref<128x64xf32, #tpu.memory_space<vmem>>
    %dma_start3A_66 = arith.constant 0 : i32
    %dma_start3A_67 = tpu.memref_slice %arg5[%dma_start3A_60, %dma_start3A_66] : memref<50x128xi32, #tpu.memory_space<vmem>> -> memref<1x128xi32, #tpu.memory_space<vmem>>
    %dma_start3A_68 = tpu.memref_squeeze %dma_start3A_67 : memref<1x128xi32, #tpu.memory_space<vmem>> -> memref<128xi32, #tpu.memory_space<vmem>>
    %dma_start3A_69 = arith.constant 0 : i32
    %dma_start3A_70 = arith.constant 0 : i32
    %dma_start3A_71 = tpu.memref_slice %arg3[%dma_start3A_69, %dma_start3A_70] : memref<100000x64xf32, #tpu.memory_space<hbm>> -> memref<100000x64xf32, #tpu.memory_space<hbm>>
    tpu.enqueue_indirect_dma source(%dma_start3A_71 : memref<100000x64xf32, #tpu.memory_space<hbm>>) target(%dma_start3A_65 : memref<128x64xf32, #tpu.memory_space<vmem>>) offsets(%dma_start3A_68 : memref<128xi32, #tpu.memory_space<vmem>>) semaphore(%arg9 : memref<!tpu.dma_semaphore, #tpu.memory_space<semaphore_mem>>)
    %scan3A = arith.constant 0 : i32
    %scan3A_72 = arith.constant 0 : i32
    %scan3A_73 = arith.constant 24 : i32
    %scan3A_74 = arith.addi %scan3A_72, %scan3A_73 : i32
    %scan3A_75 = arith.constant 1 : i32
    scf.for %scan3A_237 = %scan3A_72 to %scan3A_74 step %scan3A_75  : i32 {
      %mul3A_238 = arith.constant 2 : i32
      %mul3A_239 = arith.muli %mul3A_238, %scan3A_237 : i32
      %add3A_240 = arith.constant 0 : i32
      %add3A_241 = arith.addi %mul3A_239, %add3A_240 : i32
      %dma_wait3A_242 = arith.constant 0 : i32
      %dma_wait3A_243 = arith.constant 0 : i32
      %dma_wait3A_244 = arith.constant 0 : i32
      %dma_wait3A_245 = tpu.memref_slice %arg6[%dma_wait3A_242, %dma_wait3A_243, %dma_wait3A_244] : memref<2x128x64xf32, #tpu.memory_space<vmem>> -> memref<1x128x64xf32, #tpu.memory_space<vmem>>
      %dma_wait3A_246 = tpu.memref_squeeze %dma_wait3A_245 : memref<1x128x64xf32, #tpu.memory_space<vmem>> -> memref<128x64xf32, #tpu.memory_space<vmem>>
      %dma_wait3A_247 = arith.constant 0 : i32
      %dma_wait3A_248 = tpu.memref_slice %arg5[%add3A_241, %dma_wait3A_247] : memref<50x128xi32, #tpu.memory_space<vmem>> -> memref<1x128xi32, #tpu.memory_space<vmem>>
      %dma_wait3A_249 = tpu.memref_squeeze %dma_wait3A_248 : memref<1x128xi32, #tpu.memory_space<vmem>> -> memref<128xi32, #tpu.memory_space<vmem>>
      %dma_wait3A_250 = arith.constant 0 : i32
      %dma_wait3A_251 = arith.constant 0 : i32
      %dma_wait3A_252 = tpu.memref_slice %arg3[%dma_wait3A_250, %dma_wait3A_251] : memref<100000x64xf32, #tpu.memory_space<hbm>> -> memref<100000x64xf32, #tpu.memory_space<hbm>>
      tpu.wait_indirect_dma semaphore(%arg8 : memref<!tpu.dma_semaphore, #tpu.memory_space<semaphore_mem>>) src(%dma_wait3A_252 : memref<100000x64xf32, #tpu.memory_space<hbm>>) dst(%dma_wait3A_246 : memref<128x64xf32, #tpu.memory_space<vmem>>)
      %ge3A = arith.constant 1 : i32
      %ge3A_253 = arith.cmpi sge, %scan3A_237, %ge3A : i32
      %convert_element_type3A = arith.extui %ge3A_253 : i1 to i32
      %cond3A = arith.constant 0 : i32
      %cond3A_254 = arith.cmpi ne, %convert_element_type3A, %cond3A : i32
      scf.if %cond3A_254 {
        %dma_wait3A_349 = arith.constant 0 : i32
        %dma_wait3A_350 = arith.constant 0 : i32
        %dma_wait3A_351 = arith.constant 0 : i32
        %dma_wait3A_352 = arith.constant 0 : i32
        %dma_wait3A_353 = tpu.memref_slice %arg7[%dma_wait3A_349, %dma_wait3A_350, %dma_wait3A_351, %dma_wait3A_352] : memref<2x8x8x133xf32, #tpu.memory_space<vmem>> -> memref<1x8x8x128xf32, #tpu.memory_space<vmem>>
        %dma_wait3A_354 = tpu.memref_squeeze %dma_wait3A_353 : memref<1x8x8x128xf32, #tpu.memory_space<vmem>> -> memref<8x8x128xf32, #tpu.memory_space<vmem>>
        %dma_wait3A_355 = arith.constant 0 : i32
        %dma_wait3A_356 = arith.constant 0 : i32
        %dma_wait3A_357 = arith.constant 0 : i32
        %dma_wait3A_358 = tpu.memref_slice %arg4[%add3A_241, %dma_wait3A_355, %add3A, %dma_wait3A_356, %dma_wait3A_357] : memref<50x8x32x8x128xf32, #tpu.memory_space<hbm>> -> memref<1x8x1x8x128xf32, #tpu.memory_space<hbm>>
        %dma_wait3A_359 = tpu.memref_squeeze %dma_wait3A_358 : memref<1x8x1x8x128xf32, #tpu.memory_space<hbm>> -> memref<8x8x128xf32, #tpu.memory_space<hbm>>
        %dma_wait3A_360 = arith.constant 0 : i32
        %dma_wait3A_361 = arith.constant 0 : i32
        %dma_wait3A_362 = arith.constant 0 : i32
        %dma_wait3A_363 = tpu.memref_slice %arg4[%add3A_241, %dma_wait3A_360, %add3A, %dma_wait3A_361, %dma_wait3A_362] : memref<50x8x32x8x128xf32, #tpu.memory_space<hbm>> -> memref<1x8x1x8x128xf32, #tpu.memory_space<hbm>>
        %dma_wait3A_364 = tpu.memref_squeeze %dma_wait3A_363 : memref<1x8x1x8x128xf32, #tpu.memory_space<hbm>> -> memref<8x8x128xf32, #tpu.memory_space<hbm>>
        %dma_wait3A_365 = arith.constant 0 : i32
        %dma_wait3A_366 = arith.constant 0 : i32
        %dma_wait3A_367 = arith.constant 0 : i32
        %dma_wait3A_368 = tpu.memref_slice %arg7[%dma_wait3A_349, %dma_wait3A_365, %dma_wait3A_366, %dma_wait3A_367] : memref<2x8x8x133xf32, #tpu.memory_space<vmem>> -> memref<1x8x8x128xf32, #tpu.memory_space<vmem>>
        %dma_wait3A_369 = tpu.memref_squeeze %dma_wait3A_368 : memref<1x8x8x128xf32, #tpu.memory_space<vmem>> -> memref<8x8x128xf32, #tpu.memory_space<vmem>>
        tpu.wait_dma2 semaphore(%arg10 : memref<!tpu.dma_semaphore, #tpu.memory_space<semaphore_mem>>) src(%dma_wait3A_369 : memref<8x8x128xf32, #tpu.memory_space<vmem>>) dst(%dma_wait3A_364 : memref<8x8x128xf32, #tpu.memory_space<hbm>>)
      } else {
      }
      %parallel_loop3A_255 = arith.constant 0 : i32
      %parallel_loop3A_256 = arith.constant 128 : i32
      %parallel_loop3A_257 = arith.constant 1 : i32
      scf.for %parallel_loop3A_349 = %parallel_loop3A_255 to %parallel_loop3A_256 step %parallel_loop3A_257  : i32 {
        %parallel_loop3A_350 = arith.constant 0 : i32
        %parallel_loop3A_351 = vector.broadcast %parallel_loop3A_350 : i32 to vector<16xi32>
        %parallel_loop3A_352 = vector.broadcast %parallel_loop3A_349 : i32 to vector<16xi32>
        %parallel_loop3A_353 = arith.addi %parallel_loop3A_351, %parallel_loop3A_352 : vector<16xi32>
        %parallel_loop3A_354 = arith.constant 0 : i32
        %parallel_loop3A_355 = arith.index_cast %parallel_loop3A_354 : i32 to index
        %parallel_loop3A_356 = arith.index_cast %parallel_loop3A_349 : i32 to index
        %parallel_loop3A_357 = arith.constant 0 : index
        %parallel_loop3A_358 = tpu.vector_load %arg6[%parallel_loop3A_355, %parallel_loop3A_356, %parallel_loop3A_357] {strides = array<i32>} : memref<2x128x64xf32, #tpu.memory_space<vmem>>, vector<16xf32>,
        %parallel_loop3A_359 = arith.constant 0 : i32
        %parallel_loop3A_360 = arith.constant 0 : i32
        %parallel_loop3A_361 = arith.constant 0 : i32
        %parallel_loop3A_362 = arith.constant 0 : i32
        %parallel_loop3A_363 = tpu.memref_slice %arg7[%parallel_loop3A_359, %parallel_loop3A_360, %parallel_loop3A_361, %parallel_loop3A_362] : memref<2x8x8x133xf32, #tpu.memory_space<vmem>> -> memref<1x8x8x133xf32, #tpu.memory_space<vmem>>
        %parallel_loop3A_364 = tpu.memref_squeeze %parallel_loop3A_363 : memref<1x8x8x133xf32, #tpu.memory_space<vmem>> -> memref<8x8x133xf32, #tpu.memory_space<vmem>>
        tpu.vector_store_idx %parallel_loop3A_364[%shift_right_arithmetic3A_7, %and3A_30, %parallel_loop3A_353], %parallel_loop3A_358 : memref<8x8x133xf32, #tpu.memory_space<vmem>>[vector<16xi32>, vector<16xi32>, vector<16xi32>], vector<16xf32>,
        %parallel_loop3A_365 = arith.constant 0 : i32
        %parallel_loop3A_366 = arith.index_cast %parallel_loop3A_365 : i32 to index
        %parallel_loop3A_367 = arith.index_cast %parallel_loop3A_349 : i32 to index
        %parallel_loop3A_368 = arith.constant 16 : index
        %parallel_loop3A_369 = tpu.vector_load %arg6[%parallel_loop3A_366, %parallel_loop3A_367, %parallel_loop3A_368] {strides = array<i32>} : memref<2x128x64xf32, #tpu.memory_space<vmem>>, vector<16xf32>,
        %parallel_loop3A_370 = arith.constant 0 : i32
        %parallel_loop3A_371 = arith.constant 0 : i32
        %parallel_loop3A_372 = arith.constant 0 : i32
        %parallel_loop3A_373 = arith.constant 0 : i32
        %parallel_loop3A_374 = tpu.memref_slice %arg7[%parallel_loop3A_370, %parallel_loop3A_371, %parallel_loop3A_372, %parallel_loop3A_373] : memref<2x8x8x133xf32, #tpu.memory_space<vmem>> -> memref<1x8x8x133xf32, #tpu.memory_space<vmem>>
        %parallel_loop3A_375 = tpu.memref_squeeze %parallel_loop3A_374 : memref<1x8x8x133xf32, #tpu.memory_space<vmem>> -> memref<8x8x133xf32, #tpu.memory_space<vmem>>
        tpu.vector_store_idx %parallel_loop3A_375[%shift_right_arithmetic3A_13, %and3A_36, %parallel_loop3A_353], %parallel_loop3A_369 : memref<8x8x133xf32, #tpu.memory_space<vmem>>[vector<16xi32>, vector<16xi32>, vector<16xi32>], vector<16xf32>,
        %parallel_loop3A_376 = arith.constant 0 : i32
        %parallel_loop3A_377 = arith.index_cast %parallel_loop3A_376 : i32 to index
        %parallel_loop3A_378 = arith.index_cast %parallel_loop3A_349 : i32 to index
        %parallel_loop3A_379 = arith.constant 32 : index
        %parallel_loop3A_380 = tpu.vector_load %arg6[%parallel_loop3A_377, %parallel_loop3A_378, %parallel_loop3A_379] {strides = array<i32>} : memref<2x128x64xf32, #tpu.memory_space<vmem>>, vector<16xf32>,
        %parallel_loop3A_381 = arith.constant 0 : i32
        %parallel_loop3A_382 = arith.constant 0 : i32
        %parallel_loop3A_383 = arith.constant 0 : i32
        %parallel_loop3A_384 = arith.constant 0 : i32
        %parallel_loop3A_385 = tpu.memref_slice %arg7[%parallel_loop3A_381, %parallel_loop3A_382, %parallel_loop3A_383, %parallel_loop3A_384] : memref<2x8x8x133xf32, #tpu.memory_space<vmem>> -> memref<1x8x8x133xf32, #tpu.memory_space<vmem>>
        %parallel_loop3A_386 = tpu.memref_squeeze %parallel_loop3A_385 : memref<1x8x8x133xf32, #tpu.memory_space<vmem>> -> memref<8x8x133xf32, #tpu.memory_space<vmem>>
        tpu.vector_store_idx %parallel_loop3A_386[%shift_right_arithmetic3A_19, %and3A_42, %parallel_loop3A_353], %parallel_loop3A_380 : memref<8x8x133xf32, #tpu.memory_space<vmem>>[vector<16xi32>, vector<16xi32>, vector<16xi32>], vector<16xf32>,
        %parallel_loop3A_387 = arith.constant 0 : i32
        %parallel_loop3A_388 = arith.index_cast %parallel_loop3A_387 : i32 to index
        %parallel_loop3A_389 = arith.index_cast %parallel_loop3A_349 : i32 to index
        %parallel_loop3A_390 = arith.constant 48 : index
        %parallel_loop3A_391 = tpu.vector_load %arg6[%parallel_loop3A_388, %parallel_loop3A_389, %parallel_loop3A_390] {strides = array<i32>} : memref<2x128x64xf32, #tpu.memory_space<vmem>>, vector<16xf32>,
        %parallel_loop3A_392 = arith.constant 0 : i32
        %parallel_loop3A_393 = arith.constant 0 : i32
        %parallel_loop3A_394 = arith.constant 0 : i32
        %parallel_loop3A_395 = arith.constant 0 : i32
        %parallel_loop3A_396 = tpu.memref_slice %arg7[%parallel_loop3A_392, %parallel_loop3A_393, %parallel_loop3A_394, %parallel_loop3A_395] : memref<2x8x8x133xf32, #tpu.memory_space<vmem>> -> memref<1x8x8x133xf32, #tpu.memory_space<vmem>>
        %parallel_loop3A_397 = tpu.memref_squeeze %parallel_loop3A_396 : memref<1x8x8x133xf32, #tpu.memory_space<vmem>> -> memref<8x8x133xf32, #tpu.memory_space<vmem>>
        tpu.vector_store_idx %parallel_loop3A_397[%shift_right_arithmetic3A_25, %and3A_48, %parallel_loop3A_353], %parallel_loop3A_391 : memref<8x8x133xf32, #tpu.memory_space<vmem>>[vector<16xi32>, vector<16xi32>, vector<16xi32>], vector<16xf32>,
      } {sc.loop_unroll_factor = 4 : i64, sc.parallel_access}
      %dma_start3A_258 = arith.constant 0 : i32
      %dma_start3A_259 = arith.constant 0 : i32
      %dma_start3A_260 = arith.constant 0 : i32
      %dma_start3A_261 = arith.constant 0 : i32
      %dma_start3A_262 = tpu.memref_slice %arg7[%dma_start3A_258, %dma_start3A_259, %dma_start3A_260, %dma_start3A_261] : memref<2x8x8x133xf32, #tpu.memory_space<vmem>> -> memref<1x8x8x128xf32, #tpu.memory_space<vmem>>
      %dma_start3A_263 = tpu.memref_squeeze %dma_start3A_262 : memref<1x8x8x128xf32, #tpu.memory_space<vmem>> -> memref<8x8x128xf32, #tpu.memory_space<vmem>>
      %dma_start3A_264 = arith.constant 0 : i32
      %dma_start3A_265 = arith.constant 0 : i32
      %dma_start3A_266 = arith.constant 0 : i32
      %dma_start3A_267 = tpu.memref_slice %arg4[%add3A_241, %dma_start3A_264, %add3A, %dma_start3A_265, %dma_start3A_266] : memref<50x8x32x8x128xf32, #tpu.memory_space<hbm>> -> memref<1x8x1x8x128xf32, #tpu.memory_space<hbm>>
      %dma_start3A_268 = tpu.memref_squeeze %dma_start3A_267 : memref<1x8x1x8x128xf32, #tpu.memory_space<hbm>> -> memref<8x8x128xf32, #tpu.memory_space<hbm>>
      %dma_start3A_269 = arith.constant 0 : i32
      %dma_start3A_270 = arith.constant 0 : i32
      %dma_start3A_271 = arith.constant 0 : i32
      %dma_start3A_272 = tpu.memref_slice %arg4[%add3A_241, %dma_start3A_269, %add3A, %dma_start3A_270, %dma_start3A_271] : memref<50x8x32x8x128xf32, #tpu.memory_space<hbm>> -> memref<1x8x1x8x128xf32, #tpu.memory_space<hbm>>
      %dma_start3A_273 = tpu.memref_squeeze %dma_start3A_272 : memref<1x8x1x8x128xf32, #tpu.memory_space<hbm>> -> memref<8x8x128xf32, #tpu.memory_space<hbm>>
      %dma_start3A_274 = arith.constant 0 : i32
      %dma_start3A_275 = arith.constant 0 : i32
      %dma_start3A_276 = arith.constant 0 : i32
      %dma_start3A_277 = tpu.memref_slice %arg7[%dma_start3A_258, %dma_start3A_274, %dma_start3A_275, %dma_start3A_276] : memref<2x8x8x133xf32, #tpu.memory_space<vmem>> -> memref<1x8x8x128xf32, #tpu.memory_space<vmem>>
      %dma_start3A_278 = tpu.memref_squeeze %dma_start3A_277 : memref<1x8x8x128xf32, #tpu.memory_space<vmem>> -> memref<8x8x128xf32, #tpu.memory_space<vmem>>
      tpu.enqueue_dma source(%dma_start3A_278 : memref<8x8x128xf32, #tpu.memory_space<vmem>>) target(%dma_start3A_273 : memref<8x8x128xf32, #tpu.memory_space<hbm>>) target_semaphore(%arg10 : memref<!tpu.dma_semaphore, #tpu.memory_space<semaphore_mem>>)
      %add3A_279 = arith.constant 2 : i32
      %add3A_280 = arith.addi %add3A_241, %add3A_279 : i32
      %dma_start3A_281 = arith.constant 0 : i32
      %dma_start3A_282 = arith.constant 0 : i32
      %dma_start3A_283 = arith.constant 0 : i32
      %dma_start3A_284 = tpu.memref_slice %arg6[%dma_start3A_281, %dma_start3A_282, %dma_start3A_283] : memref<2x128x64xf32, #tpu.memory_space<vmem>> -> memref<1x128x64xf32, #tpu.memory_space<vmem>>
      %dma_start3A_285 = tpu.memref_squeeze %dma_start3A_284 : memref<1x128x64xf32, #tpu.memory_space<vmem>> -> memref<128x64xf32, #tpu.memory_space<vmem>>
      %dma_start3A_286 = arith.constant 0 : i32
      %dma_start3A_287 = tpu.memref_slice %arg5[%add3A_280, %dma_start3A_286] : memref<50x128xi32, #tpu.memory_space<vmem>> -> memref<1x128xi32, #tpu.memory_space<vmem>>
      %dma_start3A_288 = tpu.memref_squeeze %dma_start3A_287 : memref<1x128xi32, #tpu.memory_space<vmem>> -> memref<128xi32, #tpu.memory_space<vmem>>
      %dma_start3A_289 = arith.constant 0 : i32
      %dma_start3A_290 = arith.constant 0 : i32
      %dma_start3A_291 = tpu.memref_slice %arg3[%dma_start3A_289, %dma_start3A_290] : memref<100000x64xf32, #tpu.memory_space<hbm>> -> memref<100000x64xf32, #tpu.memory_space<hbm>>
      tpu.enqueue_indirect_dma source(%dma_start3A_291 : memref<100000x64xf32, #tpu.memory_space<hbm>>) target(%dma_start3A_285 : memref<128x64xf32, #tpu.memory_space<vmem>>) offsets(%dma_start3A_288 : memref<128xi32, #tpu.memory_space<vmem>>) semaphore(%arg8 : memref<!tpu.dma_semaphore, #tpu.memory_space<semaphore_mem>>)
      %mul3A_292 = arith.constant 2 : i32
      %mul3A_293 = arith.muli %mul3A_292, %scan3A_237 : i32
      %add3A_294 = arith.constant 1 : i32
      %add3A_295 = arith.addi %mul3A_293, %add3A_294 : i32
      %dma_wait3A_296 = arith.constant 1 : i32
      %dma_wait3A_297 = arith.constant 0 : i32
      %dma_wait3A_298 = arith.constant 0 : i32
      %dma_wait3A_299 = tpu.memref_slice %arg6[%dma_wait3A_296, %dma_wait3A_297, %dma_wait3A_298] : memref<2x128x64xf32, #tpu.memory_space<vmem>> -> memref<1x128x64xf32, #tpu.memory_space<vmem>>
      %dma_wait3A_300 = tpu.memref_squeeze %dma_wait3A_299 : memref<1x128x64xf32, #tpu.memory_space<vmem>> -> memref<128x64xf32, #tpu.memory_space<vmem>>
      %dma_wait3A_301 = arith.constant 0 : i32
      %dma_wait3A_302 = tpu.memref_slice %arg5[%add3A_295, %dma_wait3A_301] : memref<50x128xi32, #tpu.memory_space<vmem>> -> memref<1x128xi32, #tpu.memory_space<vmem>>
      %dma_wait3A_303 = tpu.memref_squeeze %dma_wait3A_302 : memref<1x128xi32, #tpu.memory_space<vmem>> -> memref<128xi32, #tpu.memory_space<vmem>>
      %dma_wait3A_304 = arith.constant 0 : i32
      %dma_wait3A_305 = arith.constant 0 : i32
      %dma_wait3A_306 = tpu.memref_slice %arg3[%dma_wait3A_304, %dma_wait3A_305] : memref<100000x64xf32, #tpu.memory_space<hbm>> -> memref<100000x64xf32, #tpu.memory_space<hbm>>
      tpu.wait_indirect_dma semaphore(%arg9 : memref<!tpu.dma_semaphore, #tpu.memory_space<semaphore_mem>>) src(%dma_wait3A_306 : memref<100000x64xf32, #tpu.memory_space<hbm>>) dst(%dma_wait3A_300 : memref<128x64xf32, #tpu.memory_space<vmem>>)
      %ge3A_307 = arith.constant 1 : i32
      %ge3A_308 = arith.cmpi sge, %scan3A_237, %ge3A_307 : i32
      %convert_element_type3A_309 = arith.extui %ge3A_308 : i1 to i32
      %cond3A_310 = arith.constant 0 : i32
      %cond3A_311 = arith.cmpi ne, %convert_element_type3A_309, %cond3A_310 : i32
      scf.if %cond3A_311 {
        %dma_wait3A_349 = arith.constant 1 : i32
        %dma_wait3A_350 = arith.constant 0 : i32
        %dma_wait3A_351 = arith.constant 0 : i32
        %dma_wait3A_352 = arith.constant 0 : i32
        %dma_wait3A_353 = tpu.memref_slice %arg7[%dma_wait3A_349, %dma_wait3A_350, %dma_wait3A_351, %dma_wait3A_352] : memref<2x8x8x133xf32, #tpu.memory_space<vmem>> -> memref<1x8x8x128xf32, #tpu.memory_space<vmem>>
        %dma_wait3A_354 = tpu.memref_squeeze %dma_wait3A_353 : memref<1x8x8x128xf32, #tpu.memory_space<vmem>> -> memref<8x8x128xf32, #tpu.memory_space<vmem>>
        %dma_wait3A_355 = arith.constant 0 : i32
        %dma_wait3A_356 = arith.constant 0 : i32
        %dma_wait3A_357 = arith.constant 0 : i32
        %dma_wait3A_358 = tpu.memref_slice %arg4[%add3A_295, %dma_wait3A_355, %add3A, %dma_wait3A_356, %dma_wait3A_357] : memref<50x8x32x8x128xf32, #tpu.memory_space<hbm>> -> memref<1x8x1x8x128xf32, #tpu.memory_space<hbm>>
        %dma_wait3A_359 = tpu.memref_squeeze %dma_wait3A_358 : memref<1x8x1x8x128xf32, #tpu.memory_space<hbm>> -> memref<8x8x128xf32, #tpu.memory_space<hbm>>
        %dma_wait3A_360 = arith.constant 0 : i32
        %dma_wait3A_361 = arith.constant 0 : i32
        %dma_wait3A_362 = arith.constant 0 : i32
        %dma_wait3A_363 = tpu.memref_slice %arg4[%add3A_295, %dma_wait3A_360, %add3A, %dma_wait3A_361, %dma_wait3A_362] : memref<50x8x32x8x128xf32, #tpu.memory_space<hbm>> -> memref<1x8x1x8x128xf32, #tpu.memory_space<hbm>>
        %dma_wait3A_364 = tpu.memref_squeeze %dma_wait3A_363 : memref<1x8x1x8x128xf32, #tpu.memory_space<hbm>> -> memref<8x8x128xf32, #tpu.memory_space<hbm>>
        %dma_wait3A_365 = arith.constant 0 : i32
        %dma_wait3A_366 = arith.constant 0 : i32
        %dma_wait3A_367 = arith.constant 0 : i32
        %dma_wait3A_368 = tpu.memref_slice %arg7[%dma_wait3A_349, %dma_wait3A_365, %dma_wait3A_366, %dma_wait3A_367] : memref<2x8x8x133xf32, #tpu.memory_space<vmem>> -> memref<1x8x8x128xf32, #tpu.memory_space<vmem>>
        %dma_wait3A_369 = tpu.memref_squeeze %dma_wait3A_368 : memref<1x8x8x128xf32, #tpu.memory_space<vmem>> -> memref<8x8x128xf32, #tpu.memory_space<vmem>>
        tpu.wait_dma2 semaphore(%arg11 : memref<!tpu.dma_semaphore, #tpu.memory_space<semaphore_mem>>) src(%dma_wait3A_369 : memref<8x8x128xf32, #tpu.memory_space<vmem>>) dst(%dma_wait3A_364 : memref<8x8x128xf32, #tpu.memory_space<hbm>>)
      } else {
      }
      %parallel_loop3A_312 = arith.constant 0 : i32
      %parallel_loop3A_313 = arith.constant 128 : i32
      %parallel_loop3A_314 = arith.constant 1 : i32
      scf.for %parallel_loop3A_349 = %parallel_loop3A_312 to %parallel_loop3A_313 step %parallel_loop3A_314  : i32 {
        %parallel_loop3A_350 = arith.constant 0 : i32
        %parallel_loop3A_351 = vector.broadcast %parallel_loop3A_350 : i32 to vector<16xi32>
        %parallel_loop3A_352 = vector.broadcast %parallel_loop3A_349 : i32 to vector<16xi32>
        %parallel_loop3A_353 = arith.addi %parallel_loop3A_351, %parallel_loop3A_352 : vector<16xi32>
        %parallel_loop3A_354 = arith.constant 1 : i32
        %parallel_loop3A_355 = arith.index_cast %parallel_loop3A_354 : i32 to index
        %parallel_loop3A_356 = arith.index_cast %parallel_loop3A_349 : i32 to index
        %parallel_loop3A_357 = arith.constant 0 : index
        %parallel_loop3A_358 = tpu.vector_load %arg6[%parallel_loop3A_355, %parallel_loop3A_356, %parallel_loop3A_357] {strides = array<i32>} : memref<2x128x64xf32, #tpu.memory_space<vmem>>, vector<16xf32>,
        %parallel_loop3A_359 = arith.constant 1 : i32
        %parallel_loop3A_360 = arith.constant 0 : i32
        %parallel_loop3A_361 = arith.constant 0 : i32
        %parallel_loop3A_362 = arith.constant 0 : i32
        %parallel_loop3A_363 = tpu.memref_slice %arg7[%parallel_loop3A_359, %parallel_loop3A_360, %parallel_loop3A_361, %parallel_loop3A_362] : memref<2x8x8x133xf32, #tpu.memory_space<vmem>> -> memref<1x8x8x133xf32, #tpu.memory_space<vmem>>
        %parallel_loop3A_364 = tpu.memref_squeeze %parallel_loop3A_363 : memref<1x8x8x133xf32, #tpu.memory_space<vmem>> -> memref<8x8x133xf32, #tpu.memory_space<vmem>>
        tpu.vector_store_idx %parallel_loop3A_364[%shift_right_arithmetic3A_7, %and3A_30, %parallel_loop3A_353], %parallel_loop3A_358 : memref<8x8x133xf32, #tpu.memory_space<vmem>>[vector<16xi32>, vector<16xi32>, vector<16xi32>], vector<16xf32>,
        %parallel_loop3A_365 = arith.constant 1 : i32
        %parallel_loop3A_366 = arith.index_cast %parallel_loop3A_365 : i32 to index
        %parallel_loop3A_367 = arith.index_cast %parallel_loop3A_349 : i32 to index
        %parallel_loop3A_368 = arith.constant 16 : index
        %parallel_loop3A_369 = tpu.vector_load %arg6[%parallel_loop3A_366, %parallel_loop3A_367, %parallel_loop3A_368] {strides = array<i32>} : memref<2x128x64xf32, #tpu.memory_space<vmem>>, vector<16xf32>,
        %parallel_loop3A_370 = arith.constant 1 : i32
        %parallel_loop3A_371 = arith.constant 0 : i32
        %parallel_loop3A_372 = arith.constant 0 : i32
        %parallel_loop3A_373 = arith.constant 0 : i32
        %parallel_loop3A_374 = tpu.memref_slice %arg7[%parallel_loop3A_370, %parallel_loop3A_371, %parallel_loop3A_372, %parallel_loop3A_373] : memref<2x8x8x133xf32, #tpu.memory_space<vmem>> -> memref<1x8x8x133xf32, #tpu.memory_space<vmem>>
        %parallel_loop3A_375 = tpu.memref_squeeze %parallel_loop3A_374 : memref<1x8x8x133xf32, #tpu.memory_space<vmem>> -> memref<8x8x133xf32, #tpu.memory_space<vmem>>
        tpu.vector_store_idx %parallel_loop3A_375[%shift_right_arithmetic3A_13, %and3A_36, %parallel_loop3A_353], %parallel_loop3A_369 : memref<8x8x133xf32, #tpu.memory_space<vmem>>[vector<16xi32>, vector<16xi32>, vector<16xi32>], vector<16xf32>,
        %parallel_loop3A_376 = arith.constant 1 : i32
        %parallel_loop3A_377 = arith.index_cast %parallel_loop3A_376 : i32 to index
        %parallel_loop3A_378 = arith.index_cast %parallel_loop3A_349 : i32 to index
        %parallel_loop3A_379 = arith.constant 32 : index
        %parallel_loop3A_380 = tpu.vector_load %arg6[%parallel_loop3A_377, %parallel_loop3A_378, %parallel_loop3A_379] {strides = array<i32>} : memref<2x128x64xf32, #tpu.memory_space<vmem>>, vector<16xf32>,
        %parallel_loop3A_381 = arith.constant 1 : i32
        %parallel_loop3A_382 = arith.constant 0 : i32
        %parallel_loop3A_383 = arith.constant 0 : i32
        %parallel_loop3A_384 = arith.constant 0 : i32
        %parallel_loop3A_385 = tpu.memref_slice %arg7[%parallel_loop3A_381, %parallel_loop3A_382, %parallel_loop3A_383, %parallel_loop3A_384] : memref<2x8x8x133xf32, #tpu.memory_space<vmem>> -> memref<1x8x8x133xf32, #tpu.memory_space<vmem>>
        %parallel_loop3A_386 = tpu.memref_squeeze %parallel_loop3A_385 : memref<1x8x8x133xf32, #tpu.memory_space<vmem>> -> memref<8x8x133xf32, #tpu.memory_space<vmem>>
        tpu.vector_store_idx %parallel_loop3A_386[%shift_right_arithmetic3A_19, %and3A_42, %parallel_loop3A_353], %parallel_loop3A_380 : memref<8x8x133xf32, #tpu.memory_space<vmem>>[vector<16xi32>, vector<16xi32>, vector<16xi32>], vector<16xf32>,
        %parallel_loop3A_387 = arith.constant 1 : i32
        %parallel_loop3A_388 = arith.index_cast %parallel_loop3A_387 : i32 to index
        %parallel_loop3A_389 = arith.index_cast %parallel_loop3A_349 : i32 to index
        %parallel_loop3A_390 = arith.constant 48 : index
        %parallel_loop3A_391 = tpu.vector_load %arg6[%parallel_loop3A_388, %parallel_loop3A_389, %parallel_loop3A_390] {strides = array<i32>} : memref<2x128x64xf32, #tpu.memory_space<vmem>>, vector<16xf32>,
        %parallel_loop3A_392 = arith.constant 1 : i32
        %parallel_loop3A_393 = arith.constant 0 : i32
        %parallel_loop3A_394 = arith.constant 0 : i32
        %parallel_loop3A_395 = arith.constant 0 : i32
        %parallel_loop3A_396 = tpu.memref_slice %arg7[%parallel_loop3A_392, %parallel_loop3A_393, %parallel_loop3A_394, %parallel_loop3A_395] : memref<2x8x8x133xf32, #tpu.memory_space<vmem>> -> memref<1x8x8x133xf32, #tpu.memory_space<vmem>>
        %parallel_loop3A_397 = tpu.memref_squeeze %parallel_loop3A_396 : memref<1x8x8x133xf32, #tpu.memory_space<vmem>> -> memref<8x8x133xf32, #tpu.memory_space<vmem>>
        tpu.vector_store_idx %parallel_loop3A_397[%shift_right_arithmetic3A_25, %and3A_48, %parallel_loop3A_353], %parallel_loop3A_391 : memref<8x8x133xf32, #tpu.memory_space<vmem>>[vector<16xi32>, vector<16xi32>, vector<16xi32>], vector<16xf32>,
      } {sc.loop_unroll_factor = 4 : i64, sc.parallel_access}
      %dma_start3A_315 = arith.constant 1 : i32
      %dma_start3A_316 = arith.constant 0 : i32
      %dma_start3A_317 = arith.constant 0 : i32
      %dma_start3A_318 = arith.constant 0 : i32
      %dma_start3A_319 = tpu.memref_slice %arg7[%dma_start3A_315, %dma_start3A_316, %dma_start3A_317, %dma_start3A_318] : memref<2x8x8x133xf32, #tpu.memory_space<vmem>> -> memref<1x8x8x128xf32, #tpu.memory_space<vmem>>
      %dma_start3A_320 = tpu.memref_squeeze %dma_start3A_319 : memref<1x8x8x128xf32, #tpu.memory_space<vmem>> -> memref<8x8x128xf32, #tpu.memory_space<vmem>>
      %dma_start3A_321 = arith.constant 0 : i32
      %dma_start3A_322 = arith.constant 0 : i32
      %dma_start3A_323 = arith.constant 0 : i32
      %dma_start3A_324 = tpu.memref_slice %arg4[%add3A_295, %dma_start3A_321, %add3A, %dma_start3A_322, %dma_start3A_323] : memref<50x8x32x8x128xf32, #tpu.memory_space<hbm>> -> memref<1x8x1x8x128xf32, #tpu.memory_space<hbm>>
      %dma_start3A_325 = tpu.memref_squeeze %dma_start3A_324 : memref<1x8x1x8x128xf32, #tpu.memory_space<hbm>> -> memref<8x8x128xf32, #tpu.memory_space<hbm>>
      %dma_start3A_326 = arith.constant 0 : i32
      %dma_start3A_327 = arith.constant 0 : i32
      %dma_start3A_328 = arith.constant 0 : i32
      %dma_start3A_329 = tpu.memref_slice %arg4[%add3A_295, %dma_start3A_326, %add3A, %dma_start3A_327, %dma_start3A_328] : memref<50x8x32x8x128xf32, #tpu.memory_space<hbm>> -> memref<1x8x1x8x128xf32, #tpu.memory_space<hbm>>
      %dma_start3A_330 = tpu.memref_squeeze %dma_start3A_329 : memref<1x8x1x8x128xf32, #tpu.memory_space<hbm>> -> memref<8x8x128xf32, #tpu.memory_space<hbm>>
      %dma_start3A_331 = arith.constant 0 : i32
      %dma_start3A_332 = arith.constant 0 : i32
      %dma_start3A_333 = arith.constant 0 : i32
      %dma_start3A_334 = tpu.memref_slice %arg7[%dma_start3A_315, %dma_start3A_331, %dma_start3A_332, %dma_start3A_333] : memref<2x8x8x133xf32, #tpu.memory_space<vmem>> -> memref<1x8x8x128xf32, #tpu.memory_space<vmem>>
      %dma_start3A_335 = tpu.memref_squeeze %dma_start3A_334 : memref<1x8x8x128xf32, #tpu.memory_space<vmem>> -> memref<8x8x128xf32, #tpu.memory_space<vmem>>
      tpu.enqueue_dma source(%dma_start3A_335 : memref<8x8x128xf32, #tpu.memory_space<vmem>>) target(%dma_start3A_330 : memref<8x8x128xf32, #tpu.memory_space<hbm>>) target_semaphore(%arg11 : memref<!tpu.dma_semaphore, #tpu.memory_space<semaphore_mem>>)
      %add3A_336 = arith.constant 2 : i32
      %add3A_337 = arith.addi %add3A_295, %add3A_336 : i32
      %dma_start3A_338 = arith.constant 1 : i32
      %dma_start3A_339 = arith.constant 0 : i32
      %dma_start3A_340 = arith.constant 0 : i32
      %dma_start3A_341 = tpu.memref_slice %arg6[%dma_start3A_338, %dma_start3A_339, %dma_start3A_340] : memref<2x128x64xf32, #tpu.memory_space<vmem>> -> memref<1x128x64xf32, #tpu.memory_space<vmem>>
      %dma_start3A_342 = tpu.memref_squeeze %dma_start3A_341 : memref<1x128x64xf32, #tpu.memory_space<vmem>> -> memref<128x64xf32, #tpu.memory_space<vmem>>
      %dma_start3A_343 = arith.constant 0 : i32
      %dma_start3A_344 = tpu.memref_slice %arg5[%add3A_337, %dma_start3A_343] : memref<50x128xi32, #tpu.memory_space<vmem>> -> memref<1x128xi32, #tpu.memory_space<vmem>>
      %dma_start3A_345 = tpu.memref_squeeze %dma_start3A_344 : memref<1x128xi32, #tpu.memory_space<vmem>> -> memref<128xi32, #tpu.memory_space<vmem>>
      %dma_start3A_346 = arith.constant 0 : i32
      %dma_start3A_347 = arith.constant 0 : i32
      %dma_start3A_348 = tpu.memref_slice %arg3[%dma_start3A_346, %dma_start3A_347] : memref<100000x64xf32, #tpu.memory_space<hbm>> -> memref<100000x64xf32, #tpu.memory_space<hbm>>
      tpu.enqueue_indirect_dma source(%dma_start3A_348 : memref<100000x64xf32, #tpu.memory_space<hbm>>) target(%dma_start3A_342 : memref<128x64xf32, #tpu.memory_space<vmem>>) offsets(%dma_start3A_345 : memref<128xi32, #tpu.memory_space<vmem>>) semaphore(%arg9 : memref<!tpu.dma_semaphore, #tpu.memory_space<semaphore_mem>>)
    }
    %scan3A_76 = arith.constant 24 : i32
    %dma_wait3A = arith.constant 48 : i32
    %dma_wait3A_77 = arith.constant 0 : i32
    %dma_wait3A_78 = arith.constant 0 : i32
    %dma_wait3A_79 = arith.constant 0 : i32
    %dma_wait3A_80 = tpu.memref_slice %arg6[%dma_wait3A_77, %dma_wait3A_78, %dma_wait3A_79] : memref<2x128x64xf32, #tpu.memory_space<vmem>> -> memref<1x128x64xf32, #tpu.memory_space<vmem>>
    %dma_wait3A_81 = tpu.memref_squeeze %dma_wait3A_80 : memref<1x128x64xf32, #tpu.memory_space<vmem>> -> memref<128x64xf32, #tpu.memory_space<vmem>>
    %dma_wait3A_82 = arith.constant 0 : i32
    %dma_wait3A_83 = tpu.memref_slice %arg5[%dma_wait3A, %dma_wait3A_82] : memref<50x128xi32, #tpu.memory_space<vmem>> -> memref<1x128xi32, #tpu.memory_space<vmem>>
    %dma_wait3A_84 = tpu.memref_squeeze %dma_wait3A_83 : memref<1x128xi32, #tpu.memory_space<vmem>> -> memref<128xi32, #tpu.memory_space<vmem>>
    %dma_wait3A_85 = arith.constant 0 : i32
    %dma_wait3A_86 = arith.constant 0 : i32
    %dma_wait3A_87 = tpu.memref_slice %arg3[%dma_wait3A_85, %dma_wait3A_86] : memref<100000x64xf32, #tpu.memory_space<hbm>> -> memref<100000x64xf32, #tpu.memory_space<hbm>>
    tpu.wait_indirect_dma semaphore(%arg8 : memref<!tpu.dma_semaphore, #tpu.memory_space<semaphore_mem>>) src(%dma_wait3A_87 : memref<100000x64xf32, #tpu.memory_space<hbm>>) dst(%dma_wait3A_81 : memref<128x64xf32, #tpu.memory_space<vmem>>)
    %dma_wait3A_88 = arith.constant 0 : i32
    %dma_wait3A_89 = arith.constant 48 : i32
    %dma_wait3A_90 = arith.constant 0 : i32
    %dma_wait3A_91 = arith.constant 0 : i32
    %dma_wait3A_92 = arith.constant 0 : i32
    %dma_wait3A_93 = tpu.memref_slice %arg7[%dma_wait3A_88, %dma_wait3A_90, %dma_wait3A_91, %dma_wait3A_92] : memref<2x8x8x133xf32, #tpu.memory_space<vmem>> -> memref<1x8x8x128xf32, #tpu.memory_space<vmem>>
    %dma_wait3A_94 = tpu.memref_squeeze %dma_wait3A_93 : memref<1x8x8x128xf32, #tpu.memory_space<vmem>> -> memref<8x8x128xf32, #tpu.memory_space<vmem>>
    %dma_wait3A_95 = arith.constant 0 : i32
    %dma_wait3A_96 = arith.constant 0 : i32
    %dma_wait3A_97 = arith.constant 0 : i32
    %dma_wait3A_98 = tpu.memref_slice %arg4[%dma_wait3A_89, %dma_wait3A_95, %add3A, %dma_wait3A_96, %dma_wait3A_97] : memref<50x8x32x8x128xf32, #tpu.memory_space<hbm>> -> memref<1x8x1x8x128xf32, #tpu.memory_space<hbm>>
    %dma_wait3A_99 = tpu.memref_squeeze %dma_wait3A_98 : memref<1x8x1x8x128xf32, #tpu.memory_space<hbm>> -> memref<8x8x128xf32, #tpu.memory_space<hbm>>
    %dma_wait3A_100 = arith.constant 0 : i32
    %dma_wait3A_101 = arith.constant 0 : i32
    %dma_wait3A_102 = arith.constant 0 : i32
    %dma_wait3A_103 = tpu.memref_slice %arg4[%dma_wait3A_89, %dma_wait3A_100, %add3A, %dma_wait3A_101, %dma_wait3A_102] : memref<50x8x32x8x128xf32, #tpu.memory_space<hbm>> -> memref<1x8x1x8x128xf32, #tpu.memory_space<hbm>>
    %dma_wait3A_104 = tpu.memref_squeeze %dma_wait3A_103 : memref<1x8x1x8x128xf32, #tpu.memory_space<hbm>> -> memref<8x8x128xf32, #tpu.memory_space<hbm>>
    %dma_wait3A_105 = arith.constant 0 : i32
    %dma_wait3A_106 = arith.constant 0 : i32
    %dma_wait3A_107 = arith.constant 0 : i32
    %dma_wait3A_108 = tpu.memref_slice %arg7[%dma_wait3A_88, %dma_wait3A_105, %dma_wait3A_106, %dma_wait3A_107] : memref<2x8x8x133xf32, #tpu.memory_space<vmem>> -> memref<1x8x8x128xf32, #tpu.memory_space<vmem>>
    %dma_wait3A_109 = tpu.memref_squeeze %dma_wait3A_108 : memref<1x8x8x128xf32, #tpu.memory_space<vmem>> -> memref<8x8x128xf32, #tpu.memory_space<vmem>>
    tpu.wait_dma2 semaphore(%arg10 : memref<!tpu.dma_semaphore, #tpu.memory_space<semaphore_mem>>) src(%dma_wait3A_109 : memref<8x8x128xf32, #tpu.memory_space<vmem>>) dst(%dma_wait3A_104 : memref<8x8x128xf32, #tpu.memory_space<hbm>>)
    %parallel_loop3A = arith.constant 0 : i32
    %parallel_loop3A_110 = arith.constant 128 : i32
    %parallel_loop3A_111 = arith.constant 1 : i32
    scf.for %parallel_loop3A_237 = %parallel_loop3A to %parallel_loop3A_110 step %parallel_loop3A_111  : i32 {
      %parallel_loop3A_238 = arith.constant 0 : i32
      %parallel_loop3A_239 = vector.broadcast %parallel_loop3A_238 : i32 to vector<16xi32>
      %parallel_loop3A_240 = vector.broadcast %parallel_loop3A_237 : i32 to vector<16xi32>
      %parallel_loop3A_241 = arith.addi %parallel_loop3A_239, %parallel_loop3A_240 : vector<16xi32>
      %parallel_loop3A_242 = arith.constant 0 : i32
      %parallel_loop3A_243 = arith.index_cast %parallel_loop3A_242 : i32 to index
      %parallel_loop3A_244 = arith.index_cast %parallel_loop3A_237 : i32 to index
      %parallel_loop3A_245 = arith.constant 0 : index
      %parallel_loop3A_246 = tpu.vector_load %arg6[%parallel_loop3A_243, %parallel_loop3A_244, %parallel_loop3A_245] {strides = array<i32>} : memref<2x128x64xf32, #tpu.memory_space<vmem>>, vector<16xf32>,
      %parallel_loop3A_247 = arith.constant 0 : i32
      %parallel_loop3A_248 = arith.constant 0 : i32
      %parallel_loop3A_249 = arith.constant 0 : i32
      %parallel_loop3A_250 = arith.constant 0 : i32
      %parallel_loop3A_251 = tpu.memref_slice %arg7[%parallel_loop3A_247, %parallel_loop3A_248, %parallel_loop3A_249, %parallel_loop3A_250] : memref<2x8x8x133xf32, #tpu.memory_space<vmem>> -> memref<1x8x8x133xf32, #tpu.memory_space<vmem>>
      %parallel_loop3A_252 = tpu.memref_squeeze %parallel_loop3A_251 : memref<1x8x8x133xf32, #tpu.memory_space<vmem>> -> memref<8x8x133xf32, #tpu.memory_space<vmem>>
      tpu.vector_store_idx %parallel_loop3A_252[%shift_right_arithmetic3A_7, %and3A_30, %parallel_loop3A_241], %parallel_loop3A_246 : memref<8x8x133xf32, #tpu.memory_space<vmem>>[vector<16xi32>, vector<16xi32>, vector<16xi32>], vector<16xf32>,
      %parallel_loop3A_253 = arith.constant 0 : i32
      %parallel_loop3A_254 = arith.index_cast %parallel_loop3A_253 : i32 to index
      %parallel_loop3A_255 = arith.index_cast %parallel_loop3A_237 : i32 to index
      %parallel_loop3A_256 = arith.constant 16 : index
      %parallel_loop3A_257 = tpu.vector_load %arg6[%parallel_loop3A_254, %parallel_loop3A_255, %parallel_loop3A_256] {strides = array<i32>} : memref<2x128x64xf32, #tpu.memory_space<vmem>>, vector<16xf32>,
      %parallel_loop3A_258 = arith.constant 0 : i32
      %parallel_loop3A_259 = arith.constant 0 : i32
      %parallel_loop3A_260 = arith.constant 0 : i32
      %parallel_loop3A_261 = arith.constant 0 : i32
      %parallel_loop3A_262 = tpu.memref_slice %arg7[%parallel_loop3A_258, %parallel_loop3A_259, %parallel_loop3A_260, %parallel_loop3A_261] : memref<2x8x8x133xf32, #tpu.memory_space<vmem>> -> memref<1x8x8x133xf32, #tpu.memory_space<vmem>>
      %parallel_loop3A_263 = tpu.memref_squeeze %parallel_loop3A_262 : memref<1x8x8x133xf32, #tpu.memory_space<vmem>> -> memref<8x8x133xf32, #tpu.memory_space<vmem>>
      tpu.vector_store_idx %parallel_loop3A_263[%shift_right_arithmetic3A_13, %and3A_36, %parallel_loop3A_241], %parallel_loop3A_257 : memref<8x8x133xf32, #tpu.memory_space<vmem>>[vector<16xi32>, vector<16xi32>, vector<16xi32>], vector<16xf32>,
      %parallel_loop3A_264 = arith.constant 0 : i32
      %parallel_loop3A_265 = arith.index_cast %parallel_loop3A_264 : i32 to index
      %parallel_loop3A_266 = arith.index_cast %parallel_loop3A_237 : i32 to index
      %parallel_loop3A_267 = arith.constant 32 : index
      %parallel_loop3A_268 = tpu.vector_load %arg6[%parallel_loop3A_265, %parallel_loop3A_266, %parallel_loop3A_267] {strides = array<i32>} : memref<2x128x64xf32, #tpu.memory_space<vmem>>, vector<16xf32>,
      %parallel_loop3A_269 = arith.constant 0 : i32
      %parallel_loop3A_270 = arith.constant 0 : i32
      %parallel_loop3A_271 = arith.constant 0 : i32
      %parallel_loop3A_272 = arith.constant 0 : i32
      %parallel_loop3A_273 = tpu.memref_slice %arg7[%parallel_loop3A_269, %parallel_loop3A_270, %parallel_loop3A_271, %parallel_loop3A_272] : memref<2x8x8x133xf32, #tpu.memory_space<vmem>> -> memref<1x8x8x133xf32, #tpu.memory_space<vmem>>
      %parallel_loop3A_274 = tpu.memref_squeeze %parallel_loop3A_273 : memref<1x8x8x133xf32, #tpu.memory_space<vmem>> -> memref<8x8x133xf32, #tpu.memory_space<vmem>>
      tpu.vector_store_idx %parallel_loop3A_274[%shift_right_arithmetic3A_19, %and3A_42, %parallel_loop3A_241], %parallel_loop3A_268 : memref<8x8x133xf32, #tpu.memory_space<vmem>>[vector<16xi32>, vector<16xi32>, vector<16xi32>], vector<16xf32>,
      %parallel_loop3A_275 = arith.constant 0 : i32
      %parallel_loop3A_276 = arith.index_cast %parallel_loop3A_275 : i32 to index
      %parallel_loop3A_277 = arith.index_cast %parallel_loop3A_237 : i32 to index
      %parallel_loop3A_278 = arith.constant 48 : index
      %parallel_loop3A_279 = tpu.vector_load %arg6[%parallel_loop3A_276, %parallel_loop3A_277, %parallel_loop3A_278] {strides = array<i32>} : memref<2x128x64xf32, #tpu.memory_space<vmem>>, vector<16xf32>,
      %parallel_loop3A_280 = arith.constant 0 : i32
      %parallel_loop3A_281 = arith.constant 0 : i32
      %parallel_loop3A_282 = arith.constant 0 : i32
      %parallel_loop3A_283 = arith.constant 0 : i32
      %parallel_loop3A_284 = tpu.memref_slice %arg7[%parallel_loop3A_280, %parallel_loop3A_281, %parallel_loop3A_282, %parallel_loop3A_283] : memref<2x8x8x133xf32, #tpu.memory_space<vmem>> -> memref<1x8x8x133xf32, #tpu.memory_space<vmem>>
      %parallel_loop3A_285 = tpu.memref_squeeze %parallel_loop3A_284 : memref<1x8x8x133xf32, #tpu.memory_space<vmem>> -> memref<8x8x133xf32, #tpu.memory_space<vmem>>
      tpu.vector_store_idx %parallel_loop3A_285[%shift_right_arithmetic3A_25, %and3A_48, %parallel_loop3A_241], %parallel_loop3A_279 : memref<8x8x133xf32, #tpu.memory_space<vmem>>[vector<16xi32>, vector<16xi32>, vector<16xi32>], vector<16xf32>,
    } {sc.loop_unroll_factor = 4 : i64, sc.parallel_access}
    %dma_start3A_112 = arith.constant 0 : i32
    %dma_start3A_113 = arith.constant 48 : i32
    %dma_start3A_114 = arith.constant 0 : i32
    %dma_start3A_115 = arith.constant 0 : i32
    %dma_start3A_116 = arith.constant 0 : i32
    %dma_start3A_117 = tpu.memref_slice %arg7[%dma_start3A_112, %dma_start3A_114, %dma_start3A_115, %dma_start3A_116] : memref<2x8x8x133xf32, #tpu.memory_space<vmem>> -> memref<1x8x8x128xf32, #tpu.memory_space<vmem>>
    %dma_start3A_118 = tpu.memref_squeeze %dma_start3A_117 : memref<1x8x8x128xf32, #tpu.memory_space<vmem>> -> memref<8x8x128xf32, #tpu.memory_space<vmem>>
    %dma_start3A_119 = arith.constant 0 : i32
    %dma_start3A_120 = arith.constant 0 : i32
    %dma_start3A_121 = arith.constant 0 : i32
    %dma_start3A_122 = tpu.memref_slice %arg4[%dma_start3A_113, %dma_start3A_119, %add3A, %dma_start3A_120, %dma_start3A_121] : memref<50x8x32x8x128xf32, #tpu.memory_space<hbm>> -> memref<1x8x1x8x128xf32, #tpu.memory_space<hbm>>
    %dma_start3A_123 = tpu.memref_squeeze %dma_start3A_122 : memref<1x8x1x8x128xf32, #tpu.memory_space<hbm>> -> memref<8x8x128xf32, #tpu.memory_space<hbm>>
    %dma_start3A_124 = arith.constant 0 : i32
    %dma_start3A_125 = arith.constant 0 : i32
    %dma_start3A_126 = arith.constant 0 : i32
    %dma_start3A_127 = tpu.memref_slice %arg4[%dma_start3A_113, %dma_start3A_124, %add3A, %dma_start3A_125, %dma_start3A_126] : memref<50x8x32x8x128xf32, #tpu.memory_space<hbm>> -> memref<1x8x1x8x128xf32, #tpu.memory_space<hbm>>
    %dma_start3A_128 = tpu.memref_squeeze %dma_start3A_127 : memref<1x8x1x8x128xf32, #tpu.memory_space<hbm>> -> memref<8x8x128xf32, #tpu.memory_space<hbm>>
    %dma_start3A_129 = arith.constant 0 : i32
    %dma_start3A_130 = arith.constant 0 : i32
    %dma_start3A_131 = arith.constant 0 : i32
    %dma_start3A_132 = tpu.memref_slice %arg7[%dma_start3A_112, %dma_start3A_129, %dma_start3A_130, %dma_start3A_131] : memref<2x8x8x133xf32, #tpu.memory_space<vmem>> -> memref<1x8x8x128xf32, #tpu.memory_space<vmem>>
    %dma_start3A_133 = tpu.memref_squeeze %dma_start3A_132 : memref<1x8x8x128xf32, #tpu.memory_space<vmem>> -> memref<8x8x128xf32, #tpu.memory_space<vmem>>
    tpu.enqueue_dma source(%dma_start3A_133 : memref<8x8x128xf32, #tpu.memory_space<vmem>>) target(%dma_start3A_128 : memref<8x8x128xf32, #tpu.memory_space<hbm>>) target_semaphore(%arg10 : memref<!tpu.dma_semaphore, #tpu.memory_space<semaphore_mem>>)
    %dma_wait3A_134 = arith.constant 49 : i32
    %dma_wait3A_135 = arith.constant 1 : i32
    %dma_wait3A_136 = arith.constant 0 : i32
    %dma_wait3A_137 = arith.constant 0 : i32
    %dma_wait3A_138 = tpu.memref_slice %arg6[%dma_wait3A_135, %dma_wait3A_136, %dma_wait3A_137] : memref<2x128x64xf32, #tpu.memory_space<vmem>> -> memref<1x128x64xf32, #tpu.memory_space<vmem>>
    %dma_wait3A_139 = tpu.memref_squeeze %dma_wait3A_138 : memref<1x128x64xf32, #tpu.memory_space<vmem>> -> memref<128x64xf32, #tpu.memory_space<vmem>>
    %dma_wait3A_140 = arith.constant 0 : i32
    %dma_wait3A_141 = tpu.memref_slice %arg5[%dma_wait3A_134, %dma_wait3A_140] : memref<50x128xi32, #tpu.memory_space<vmem>> -> memref<1x128xi32, #tpu.memory_space<vmem>>
    %dma_wait3A_142 = tpu.memref_squeeze %dma_wait3A_141 : memref<1x128xi32, #tpu.memory_space<vmem>> -> memref<128xi32, #tpu.memory_space<vmem>>
    %dma_wait3A_143 = arith.constant 0 : i32
    %dma_wait3A_144 = arith.constant 0 : i32
    %dma_wait3A_145 = tpu.memref_slice %arg3[%dma_wait3A_143, %dma_wait3A_144] : memref<100000x64xf32, #tpu.memory_space<hbm>> -> memref<100000x64xf32, #tpu.memory_space<hbm>>
    tpu.wait_indirect_dma semaphore(%arg9 : memref<!tpu.dma_semaphore, #tpu.memory_space<semaphore_mem>>) src(%dma_wait3A_145 : memref<100000x64xf32, #tpu.memory_space<hbm>>) dst(%dma_wait3A_139 : memref<128x64xf32, #tpu.memory_space<vmem>>)
    %dma_wait3A_146 = arith.constant 1 : i32
    %dma_wait3A_147 = arith.constant 49 : i32
    %dma_wait3A_148 = arith.constant 0 : i32
    %dma_wait3A_149 = arith.constant 0 : i32
    %dma_wait3A_150 = arith.constant 0 : i32
    %dma_wait3A_151 = tpu.memref_slice %arg7[%dma_wait3A_146, %dma_wait3A_148, %dma_wait3A_149, %dma_wait3A_150] : memref<2x8x8x133xf32, #tpu.memory_space<vmem>> -> memref<1x8x8x128xf32, #tpu.memory_space<vmem>>
    %dma_wait3A_152 = tpu.memref_squeeze %dma_wait3A_151 : memref<1x8x8x128xf32, #tpu.memory_space<vmem>> -> memref<8x8x128xf32, #tpu.memory_space<vmem>>
    %dma_wait3A_153 = arith.constant 0 : i32
    %dma_wait3A_154 = arith.constant 0 : i32
    %dma_wait3A_155 = arith.constant 0 : i32
    %dma_wait3A_156 = tpu.memref_slice %arg4[%dma_wait3A_147, %dma_wait3A_153, %add3A, %dma_wait3A_154, %dma_wait3A_155] : memref<50x8x32x8x128xf32, #tpu.memory_space<hbm>> -> memref<1x8x1x8x128xf32, #tpu.memory_space<hbm>>
    %dma_wait3A_157 = tpu.memref_squeeze %dma_wait3A_156 : memref<1x8x1x8x128xf32, #tpu.memory_space<hbm>> -> memref<8x8x128xf32, #tpu.memory_space<hbm>>
    %dma_wait3A_158 = arith.constant 0 : i32
    %dma_wait3A_159 = arith.constant 0 : i32
    %dma_wait3A_160 = arith.constant 0 : i32
    %dma_wait3A_161 = tpu.memref_slice %arg4[%dma_wait3A_147, %dma_wait3A_158, %add3A, %dma_wait3A_159, %dma_wait3A_160] : memref<50x8x32x8x128xf32, #tpu.memory_space<hbm>> -> memref<1x8x1x8x128xf32, #tpu.memory_space<hbm>>
    %dma_wait3A_162 = tpu.memref_squeeze %dma_wait3A_161 : memref<1x8x1x8x128xf32, #tpu.memory_space<hbm>> -> memref<8x8x128xf32, #tpu.memory_space<hbm>>
    %dma_wait3A_163 = arith.constant 0 : i32
    %dma_wait3A_164 = arith.constant 0 : i32
    %dma_wait3A_165 = arith.constant 0 : i32
    %dma_wait3A_166 = tpu.memref_slice %arg7[%dma_wait3A_146, %dma_wait3A_163, %dma_wait3A_164, %dma_wait3A_165] : memref<2x8x8x133xf32, #tpu.memory_space<vmem>> -> memref<1x8x8x128xf32, #tpu.memory_space<vmem>>
    %dma_wait3A_167 = tpu.memref_squeeze %dma_wait3A_166 : memref<1x8x8x128xf32, #tpu.memory_space<vmem>> -> memref<8x8x128xf32, #tpu.memory_space<vmem>>
    tpu.wait_dma2 semaphore(%arg11 : memref<!tpu.dma_semaphore, #tpu.memory_space<semaphore_mem>>) src(%dma_wait3A_167 : memref<8x8x128xf32, #tpu.memory_space<vmem>>) dst(%dma_wait3A_162 : memref<8x8x128xf32, #tpu.memory_space<hbm>>)
    %parallel_loop3A_168 = arith.constant 0 : i32
    %parallel_loop3A_169 = arith.constant 128 : i32
    %parallel_loop3A_170 = arith.constant 1 : i32
    scf.for %parallel_loop3A_237 = %parallel_loop3A_168 to %parallel_loop3A_169 step %parallel_loop3A_170  : i32 {
      %parallel_loop3A_238 = arith.constant 0 : i32
      %parallel_loop3A_239 = vector.broadcast %parallel_loop3A_238 : i32 to vector<16xi32>
      %parallel_loop3A_240 = vector.broadcast %parallel_loop3A_237 : i32 to vector<16xi32>
      %parallel_loop3A_241 = arith.addi %parallel_loop3A_239, %parallel_loop3A_240 : vector<16xi32>
      %parallel_loop3A_242 = arith.constant 1 : i32
      %parallel_loop3A_243 = arith.index_cast %parallel_loop3A_242 : i32 to index
      %parallel_loop3A_244 = arith.index_cast %parallel_loop3A_237 : i32 to index
      %parallel_loop3A_245 = arith.constant 0 : index
      %parallel_loop3A_246 = tpu.vector_load %arg6[%parallel_loop3A_243, %parallel_loop3A_244, %parallel_loop3A_245] {strides = array<i32>} : memref<2x128x64xf32, #tpu.memory_space<vmem>>, vector<16xf32>,
      %parallel_loop3A_247 = arith.constant 1 : i32
      %parallel_loop3A_248 = arith.constant 0 : i32
      %parallel_loop3A_249 = arith.constant 0 : i32
      %parallel_loop3A_250 = arith.constant 0 : i32
      %parallel_loop3A_251 = tpu.memref_slice %arg7[%parallel_loop3A_247, %parallel_loop3A_248, %parallel_loop3A_249, %parallel_loop3A_250] : memref<2x8x8x133xf32, #tpu.memory_space<vmem>> -> memref<1x8x8x133xf32, #tpu.memory_space<vmem>>
      %parallel_loop3A_252 = tpu.memref_squeeze %parallel_loop3A_251 : memref<1x8x8x133xf32, #tpu.memory_space<vmem>> -> memref<8x8x133xf32, #tpu.memory_space<vmem>>
      tpu.vector_store_idx %parallel_loop3A_252[%shift_right_arithmetic3A_7, %and3A_30, %parallel_loop3A_241], %parallel_loop3A_246 : memref<8x8x133xf32, #tpu.memory_space<vmem>>[vector<16xi32>, vector<16xi32>, vector<16xi32>], vector<16xf32>,
      %parallel_loop3A_253 = arith.constant 1 : i32
      %parallel_loop3A_254 = arith.index_cast %parallel_loop3A_253 : i32 to index
      %parallel_loop3A_255 = arith.index_cast %parallel_loop3A_237 : i32 to index
      %parallel_loop3A_256 = arith.constant 16 : index
      %parallel_loop3A_257 = tpu.vector_load %arg6[%parallel_loop3A_254, %parallel_loop3A_255, %parallel_loop3A_256] {strides = array<i32>} : memref<2x128x64xf32, #tpu.memory_space<vmem>>, vector<16xf32>,
      %parallel_loop3A_258 = arith.constant 1 : i32
      %parallel_loop3A_259 = arith.constant 0 : i32
      %parallel_loop3A_260 = arith.constant 0 : i32
      %parallel_loop3A_261 = arith.constant 0 : i32
      %parallel_loop3A_262 = tpu.memref_slice %arg7[%parallel_loop3A_258, %parallel_loop3A_259, %parallel_loop3A_260, %parallel_loop3A_261] : memref<2x8x8x133xf32, #tpu.memory_space<vmem>> -> memref<1x8x8x133xf32, #tpu.memory_space<vmem>>
      %parallel_loop3A_263 = tpu.memref_squeeze %parallel_loop3A_262 : memref<1x8x8x133xf32, #tpu.memory_space<vmem>> -> memref<8x8x133xf32, #tpu.memory_space<vmem>>
      tpu.vector_store_idx %parallel_loop3A_263[%shift_right_arithmetic3A_13, %and3A_36, %parallel_loop3A_241], %parallel_loop3A_257 : memref<8x8x133xf32, #tpu.memory_space<vmem>>[vector<16xi32>, vector<16xi32>, vector<16xi32>], vector<16xf32>,
      %parallel_loop3A_264 = arith.constant 1 : i32
      %parallel_loop3A_265 = arith.index_cast %parallel_loop3A_264 : i32 to index
      %parallel_loop3A_266 = arith.index_cast %parallel_loop3A_237 : i32 to index
      %parallel_loop3A_267 = arith.constant 32 : index
      %parallel_loop3A_268 = tpu.vector_load %arg6[%parallel_loop3A_265, %parallel_loop3A_266, %parallel_loop3A_267] {strides = array<i32>} : memref<2x128x64xf32, #tpu.memory_space<vmem>>, vector<16xf32>,
      %parallel_loop3A_269 = arith.constant 1 : i32
      %parallel_loop3A_270 = arith.constant 0 : i32
      %parallel_loop3A_271 = arith.constant 0 : i32
      %parallel_loop3A_272 = arith.constant 0 : i32
      %parallel_loop3A_273 = tpu.memref_slice %arg7[%parallel_loop3A_269, %parallel_loop3A_270, %parallel_loop3A_271, %parallel_loop3A_272] : memref<2x8x8x133xf32, #tpu.memory_space<vmem>> -> memref<1x8x8x133xf32, #tpu.memory_space<vmem>>
      %parallel_loop3A_274 = tpu.memref_squeeze %parallel_loop3A_273 : memref<1x8x8x133xf32, #tpu.memory_space<vmem>> -> memref<8x8x133xf32, #tpu.memory_space<vmem>>
      tpu.vector_store_idx %parallel_loop3A_274[%shift_right_arithmetic3A_19, %and3A_42, %parallel_loop3A_241], %parallel_loop3A_268 : memref<8x8x133xf32, #tpu.memory_space<vmem>>[vector<16xi32>, vector<16xi32>, vector<16xi32>], vector<16xf32>,
      %parallel_loop3A_275 = arith.constant 1 : i32
      %parallel_loop3A_276 = arith.index_cast %parallel_loop3A_275 : i32 to index
      %parallel_loop3A_277 = arith.index_cast %parallel_loop3A_237 : i32 to index
      %parallel_loop3A_278 = arith.constant 48 : index
      %parallel_loop3A_279 = tpu.vector_load %arg6[%parallel_loop3A_276, %parallel_loop3A_277, %parallel_loop3A_278] {strides = array<i32>} : memref<2x128x64xf32, #tpu.memory_space<vmem>>, vector<16xf32>,
      %parallel_loop3A_280 = arith.constant 1 : i32
      %parallel_loop3A_281 = arith.constant 0 : i32
      %parallel_loop3A_282 = arith.constant 0 : i32
      %parallel_loop3A_283 = arith.constant 0 : i32
      %parallel_loop3A_284 = tpu.memref_slice %arg7[%parallel_loop3A_280, %parallel_loop3A_281, %parallel_loop3A_282, %parallel_loop3A_283] : memref<2x8x8x133xf32, #tpu.memory_space<vmem>> -> memref<1x8x8x133xf32, #tpu.memory_space<vmem>>
      %parallel_loop3A_285 = tpu.memref_squeeze %parallel_loop3A_284 : memref<1x8x8x133xf32, #tpu.memory_space<vmem>> -> memref<8x8x133xf32, #tpu.memory_space<vmem>>
      tpu.vector_store_idx %parallel_loop3A_285[%shift_right_arithmetic3A_25, %and3A_48, %parallel_loop3A_241], %parallel_loop3A_279 : memref<8x8x133xf32, #tpu.memory_space<vmem>>[vector<16xi32>, vector<16xi32>, vector<16xi32>], vector<16xf32>,
    } {sc.loop_unroll_factor = 4 : i64, sc.parallel_access}
    %dma_start3A_171 = arith.constant 1 : i32
    %dma_start3A_172 = arith.constant 49 : i32
    %dma_start3A_173 = arith.constant 0 : i32
    %dma_start3A_174 = arith.constant 0 : i32
    %dma_start3A_175 = arith.constant 0 : i32
    %dma_start3A_176 = tpu.memref_slice %arg7[%dma_start3A_171, %dma_start3A_173, %dma_start3A_174, %dma_start3A_175] : memref<2x8x8x133xf32, #tpu.memory_space<vmem>> -> memref<1x8x8x128xf32, #tpu.memory_space<vmem>>
    %dma_start3A_177 = tpu.memref_squeeze %dma_start3A_176 : memref<1x8x8x128xf32, #tpu.memory_space<vmem>> -> memref<8x8x128xf32, #tpu.memory_space<vmem>>
    %dma_start3A_178 = arith.constant 0 : i32
    %dma_start3A_179 = arith.constant 0 : i32
    %dma_start3A_180 = arith.constant 0 : i32
    %dma_start3A_181 = tpu.memref_slice %arg4[%dma_start3A_172, %dma_start3A_178, %add3A, %dma_start3A_179, %dma_start3A_180] : memref<50x8x32x8x128xf32, #tpu.memory_space<hbm>> -> memref<1x8x1x8x128xf32, #tpu.memory_space<hbm>>
    %dma_start3A_182 = tpu.memref_squeeze %dma_start3A_181 : memref<1x8x1x8x128xf32, #tpu.memory_space<hbm>> -> memref<8x8x128xf32, #tpu.memory_space<hbm>>
    %dma_start3A_183 = arith.constant 0 : i32
    %dma_start3A_184 = arith.constant 0 : i32
    %dma_start3A_185 = arith.constant 0 : i32
    %dma_start3A_186 = tpu.memref_slice %arg4[%dma_start3A_172, %dma_start3A_183, %add3A, %dma_start3A_184, %dma_start3A_185] : memref<50x8x32x8x128xf32, #tpu.memory_space<hbm>> -> memref<1x8x1x8x128xf32, #tpu.memory_space<hbm>>
    %dma_start3A_187 = tpu.memref_squeeze %dma_start3A_186 : memref<1x8x1x8x128xf32, #tpu.memory_space<hbm>> -> memref<8x8x128xf32, #tpu.memory_space<hbm>>
    %dma_start3A_188 = arith.constant 0 : i32
    %dma_start3A_189 = arith.constant 0 : i32
    %dma_start3A_190 = arith.constant 0 : i32
    %dma_start3A_191 = tpu.memref_slice %arg7[%dma_start3A_171, %dma_start3A_188, %dma_start3A_189, %dma_start3A_190] : memref<2x8x8x133xf32, #tpu.memory_space<vmem>> -> memref<1x8x8x128xf32, #tpu.memory_space<vmem>>
    %dma_start3A_192 = tpu.memref_squeeze %dma_start3A_191 : memref<1x8x8x128xf32, #tpu.memory_space<vmem>> -> memref<8x8x128xf32, #tpu.memory_space<vmem>>
    tpu.enqueue_dma source(%dma_start3A_192 : memref<8x8x128xf32, #tpu.memory_space<vmem>>) target(%dma_start3A_187 : memref<8x8x128xf32, #tpu.memory_space<hbm>>) target_semaphore(%arg11 : memref<!tpu.dma_semaphore, #tpu.memory_space<semaphore_mem>>)
    %dma_wait3A_193 = arith.constant 0 : i32
    %dma_wait3A_194 = arith.constant 48 : i32
    %dma_wait3A_195 = arith.constant 0 : i32
    %dma_wait3A_196 = arith.constant 0 : i32
    %dma_wait3A_197 = arith.constant 0 : i32
    %dma_wait3A_198 = tpu.memref_slice %arg7[%dma_wait3A_193, %dma_wait3A_195, %dma_wait3A_196, %dma_wait3A_197] : memref<2x8x8x133xf32, #tpu.memory_space<vmem>> -> memref<1x8x8x128xf32, #tpu.memory_space<vmem>>
    %dma_wait3A_199 = tpu.memref_squeeze %dma_wait3A_198 : memref<1x8x8x128xf32, #tpu.memory_space<vmem>> -> memref<8x8x128xf32, #tpu.memory_space<vmem>>
    %dma_wait3A_200 = arith.constant 0 : i32
    %dma_wait3A_201 = arith.constant 0 : i32
    %dma_wait3A_202 = arith.constant 0 : i32
    %dma_wait3A_203 = tpu.memref_slice %arg4[%dma_wait3A_194, %dma_wait3A_200, %add3A, %dma_wait3A_201, %dma_wait3A_202] : memref<50x8x32x8x128xf32, #tpu.memory_space<hbm>> -> memref<1x8x1x8x128xf32, #tpu.memory_space<hbm>>
    %dma_wait3A_204 = tpu.memref_squeeze %dma_wait3A_203 : memref<1x8x1x8x128xf32, #tpu.memory_space<hbm>> -> memref<8x8x128xf32, #tpu.memory_space<hbm>>
    %dma_wait3A_205 = arith.constant 0 : i32
    %dma_wait3A_206 = arith.constant 0 : i32
    %dma_wait3A_207 = arith.constant 0 : i32
    %dma_wait3A_208 = tpu.memref_slice %arg4[%dma_wait3A_194, %dma_wait3A_205, %add3A, %dma_wait3A_206, %dma_wait3A_207] : memref<50x8x32x8x128xf32, #tpu.memory_space<hbm>> -> memref<1x8x1x8x128xf32, #tpu.memory_space<hbm>>
    %dma_wait3A_209 = tpu.memref_squeeze %dma_wait3A_208 : memref<1x8x1x8x128xf32, #tpu.memory_space<hbm>> -> memref<8x8x128xf32, #tpu.memory_space<hbm>>
    %dma_wait3A_210 = arith.constant 0 : i32
    %dma_wait3A_211 = arith.constant 0 : i32
    %dma_wait3A_212 = arith.constant 0 : i32
    %dma_wait3A_213 = tpu.memref_slice %arg7[%dma_wait3A_193, %dma_wait3A_210, %dma_wait3A_211, %dma_wait3A_212] : memref<2x8x8x133xf32, #tpu.memory_space<vmem>> -> memref<1x8x8x128xf32, #tpu.memory_space<vmem>>
    %dma_wait3A_214 = tpu.memref_squeeze %dma_wait3A_213 : memref<1x8x8x128xf32, #tpu.memory_space<vmem>> -> memref<8x8x128xf32, #tpu.memory_space<vmem>>
    tpu.wait_dma2 semaphore(%arg10 : memref<!tpu.dma_semaphore, #tpu.memory_space<semaphore_mem>>) src(%dma_wait3A_214 : memref<8x8x128xf32, #tpu.memory_space<vmem>>) dst(%dma_wait3A_209 : memref<8x8x128xf32, #tpu.memory_space<hbm>>)
    %dma_wait3A_215 = arith.constant 1 : i32
    %dma_wait3A_216 = arith.constant 49 : i32
    %dma_wait3A_217 = arith.constant 0 : i32
    %dma_wait3A_218 = arith.constant 0 : i32
    %dma_wait3A_219 = arith.constant 0 : i32
    %dma_wait3A_220 = tpu.memref_slice %arg7[%dma_wait3A_215, %dma_wait3A_217, %dma_wait3A_218, %dma_wait3A_219] : memref<2x8x8x133xf32, #tpu.memory_space<vmem>> -> memref<1x8x8x128xf32, #tpu.memory_space<vmem>>
    %dma_wait3A_221 = tpu.memref_squeeze %dma_wait3A_220 : memref<1x8x8x128xf32, #tpu.memory_space<vmem>> -> memref<8x8x128xf32, #tpu.memory_space<vmem>>
    %dma_wait3A_222 = arith.constant 0 : i32
    %dma_wait3A_223 = arith.constant 0 : i32
    %dma_wait3A_224 = arith.constant 0 : i32
    %dma_wait3A_225 = tpu.memref_slice %arg4[%dma_wait3A_216, %dma_wait3A_222, %add3A, %dma_wait3A_223, %dma_wait3A_224] : memref<50x8x32x8x128xf32, #tpu.memory_space<hbm>> -> memref<1x8x1x8x128xf32, #tpu.memory_space<hbm>>
    %dma_wait3A_226 = tpu.memref_squeeze %dma_wait3A_225 : memref<1x8x1x8x128xf32, #tpu.memory_space<hbm>> -> memref<8x8x128xf32, #tpu.memory_space<hbm>>
    %dma_wait3A_227 = arith.constant 0 : i32
    %dma_wait3A_228 = arith.constant 0 : i32
    %dma_wait3A_229 = arith.constant 0 : i32
    %dma_wait3A_230 = tpu.memref_slice %arg4[%dma_wait3A_216, %dma_wait3A_227, %add3A, %dma_wait3A_228, %dma_wait3A_229] : memref<50x8x32x8x128xf32, #tpu.memory_space<hbm>> -> memref<1x8x1x8x128xf32, #tpu.memory_space<hbm>>
    %dma_wait3A_231 = tpu.memref_squeeze %dma_wait3A_230 : memref<1x8x1x8x128xf32, #tpu.memory_space<hbm>> -> memref<8x8x128xf32, #tpu.memory_space<hbm>>
    %dma_wait3A_232 = arith.constant 0 : i32
    %dma_wait3A_233 = arith.constant 0 : i32
    %dma_wait3A_234 = arith.constant 0 : i32
    %dma_wait3A_235 = tpu.memref_slice %arg7[%dma_wait3A_215, %dma_wait3A_232, %dma_wait3A_233, %dma_wait3A_234] : memref<2x8x8x133xf32, #tpu.memory_space<vmem>> -> memref<1x8x8x128xf32, #tpu.memory_space<vmem>>
    %dma_wait3A_236 = tpu.memref_squeeze %dma_wait3A_235 : memref<1x8x8x128xf32, #tpu.memory_space<vmem>> -> memref<8x8x128xf32, #tpu.memory_space<vmem>>
    tpu.wait_dma2 semaphore(%arg11 : memref<!tpu.dma_semaphore, #tpu.memory_space<semaphore_mem>>) src(%dma_wait3A_236 : memref<8x8x128xf32, #tpu.memory_space<vmem>>) dst(%dma_wait3A_231 : memref<8x8x128xf32, #tpu.memory_space<hbm>>)
    return
  }
}

</mosaic_0001>

<sc_bundles>
// kernel: kernel.3.cloned.1.call-start
scs
__scs_entry_jumppad:
0x0: {  	(pc) =	sbr.rel $0x88, $3  }
0x1: {  	(tag) =	ssettag $0x0;
	lr =	simm.s32 $0x1  }
0x2: {  	[smem:$0x3F9F] =	sst lr;
	_ =	strace $0xD0000000  }
0x3: {  	_ = 	snop  }
0x4: {  	_ = 	snop  }
0x5: {  	_ = 	snop  }
0x6: {  	_ = 	snop  }
0x7: {  	_ = 	snop  }
__scs_overlays_trampoline_lowered:
0x8: {  	[smem:$0x3FAE] =	sst s0  }
0x9: {  	[smem:$0x3FAF] =	sst s1  }
0xa: {  	[smem:$0x3FB0] =	sst s2  }
0xb: {  	[smem:$0x3FB1] =	sst s3  }
0xc: {  	[smem:$0x3FB2] =	sst s4  }
0xd: {  	[smem:$0x3FB3] =	sst s5  }
0xe: {  	[smem:$0x3FB4] =	sst s6  }
0xf: {  	[smem:$0x3FB5] =	sst s7  }
0x10: {  	[smem:$0x3FB6] =	sst s8  }
0x11: {  	[smem:$0x3FB7] =	sst s9;
	s0 =	simm.s32 @!p0 $0x0  }
0x12: {  	s1 =	sld [smem:$0x3F9D];
	s0 =	simm.s32 @p0 $0x1  }
0x13: {  	[smem:$0x3FB8] =	sst s0;
	s0 =	simm.s32 @!p1 $0x0  }
0x14: {  	s2 =	sld [smem:$0x3F9C];
	s0 =	simm.s32 @p1 $0x1  }
0x15: {  	[smem:$0x3FB9] =	sst s0;
	s0 =	simm.s32 @!p2 $0x0  }
0x16: {  	s3 =	sld [smem:$0x3FDB];
	s0 =	simm.s32 @p2 $0x1  }
0x17: {  	s4 =	simm.s32 $0x1BF5;
	[smem:$0x3FBB] =	sst s0  }
0x18: {  	s0 =	sld [smem:$0x3F9E];
	_ =	swait.ge [sflag:s4], $0x0  }
0x19: {  	s7 =	sld [smem:$0x3F9F]  }
0x1a: {  	s8 =	sadd.s32 $0xFFFFE003, lr  }
0x1b: {  	s9 =	sadd.s32 $0xFFFFFEF7, lr;
	s5 =	simm.s32 $0xFFFFFFFF;
	p2 =	slt.u32 s8, $0xFFFFF086  }
0x1c: {  	p1 =	slt.u32 s9, $0xF7A;
	s5 =	simm.s32 @!p2 $0x0  }
0x1d: {  	s5 =	simm.s32 @p1 $0x1;
	p0 =	seq.s32 s7, s2  }
0x1e: {  	s7 =	smul.u32 @!p0 $0xF7A, s2;
	p2 =	seq.s32 @!p0 s5, $0x0  }
0x1f: {  	s9 =	smul.u32 $0xF7A, s1;
	s8 =	simm.s32 @!p0 $0x1BF5;
	p2 =	por !p2, p0  }
0x20: {  	[sflag:s8] =	ssyncset.s32 @!p0 $0xFFFFF086;
	s6 =	sadd.s32 @!p0 s3, s7;
	s7 =	simm.s32 @!p0 $0x108  }
0x21: {  	s3 =	sadd.s32 s3, s9;
	s6 =	sadd.s32 @!p0 $0x88, s6;
	s7 =	simm.s32 @p2 $0x1082  }
0x22: {  	[simem:s7], [sflag:s8] =	dma.local @!p0 [hbm:s6], $0xF7A  }
0x23: {  	s9 =	sor.u32 $0xD0000000, s2;
	s6 =	simm.s32 $0x108;
	_ =	swait.ge @!p0 [sflag:s8], $0x0  }
0x24: {  	s3 =	sadd.s32 $0x88, s3;
	s6 =	simm.s32 @!p1 $0x1082;
	[sflag:s4] =	ssyncset.s32 $0xFFFFF086  }
0x25: {  	[simem:s6], [sflag:s4] =	dma.local [hbm:s3], $0xF7A  }
0x26: {  	[smem:$0x3F9F] =	sst s1;
	(tag) =	ssettag s2;
	_ =	strace s9  }
0x27: {  	s1 =	sld [smem:$0x3FAF]  }
0x28: {  	s2 =	sld [smem:$0x3FB0]  }
0x29: {  	s4 =	sld [smem:$0x3FB2]  }
0x2a: {  	p0 =	seq.s32 s5, $0x0;
	s5 =	sld [smem:$0x3FB3]  }
0x2b: {  	s6 =	sld [smem:$0x3FB4]  }
0x2c: {  	s7 =	sld [smem:$0x3FB5]  }
0x2d: {  	s3 =	simm.s32 $0x108;
	s8 =	sld [smem:$0x3FB6]  }
0x2e: {  	s3 =	simm.s32 @!p0 $0x1082;
	s9 =	sld [smem:$0x3FB7]  }
0x2f: {  	lr =	sadd.s32 s0, s3;
	s0 =	sld [smem:$0x3FAE]  }
0x30: {  	s3 =	sld [smem:$0x3FB1]  }
0x31: {  	[smem:$0x3FBA] =	sst s10  }
0x32: {  	s10 =	sld [smem:$0x3FB8];
	_ =	sdelay $0x3  }
0x33: {  	p0 =	seq.s32 s10, $0x1;
	s10 =	sld [smem:$0x3FBA];
	_ =	sdelay $0x3  }
0x34: {  	[smem:$0x3FBA] =	sst s10  }
0x35: {  	s10 =	sld [smem:$0x3FB9];
	_ =	sdelay $0x3  }
0x36: {  	p1 =	seq.s32 s10, $0x1;
	s10 =	sld [smem:$0x3FBA];
	_ =	sdelay $0x3  }
0x37: {  	[smem:$0x3FBA] =	sst s10  }
0x38: {  	s10 =	sld [smem:$0x3FBB]  }
0x39: {  	_ = 	snop;
	(pc) =	sbr.ind lr, $3  }
0x3a: {  	_ = 	snop  }
0x3b: {  	_ = 	snop  }
0x3c: {  	p2 =	seq.s32 s10, $0x1;
	s10 =	sld [smem:$0x3FBA]  }
0x3d: {  	_ =	shalt  }
0x3e: {  	_ =	shalt  }
0x3f: {  	_ =	shalt  }
0x40: {  	_ =	shalt  }
0x41: {  	_ =	shalt  }
0x42: {  	_ =	shalt  }
0x43: {  	_ =	shalt  }
0x44: {  	_ =	shalt  }
0x45: {  	_ =	shalt  }
0x46: {  	_ =	shalt  }
0x47: {  	_ =	shalt  }
0x48: {  	_ =	shalt  }
0x49: {  	_ =	shalt  }
0x4a: {  	_ =	shalt  }
0x4b: {  	_ =	shalt  }
0x4c: {  	_ =	shalt  }
0x4d: {  	_ =	shalt  }
0x4e: {  	_ =	shalt  }
0x4f: {  	_ =	shalt  }
0x50: {  	_ =	shalt  }
0x51: {  	_ =	shalt  }
0x52: {  	_ =	shalt  }
0x53: {  	_ =	shalt  }
0x54: {  	_ =	shalt  }
0x55: {  	_ =	shalt  }
0x56: {  	_ =	shalt  }
0x57: {  	_ =	shalt  }
0x58: {  	_ =	shalt  }
0x59: {  	_ =	shalt  }
0x5a: {  	_ =	shalt  }
0x5b: {  	_ =	shalt  }
0x5c: {  	_ =	shalt  }
0x5d: {  	_ =	shalt  }
0x5e: {  	_ =	shalt  }
0x5f: {  	_ =	shalt  }
0x60: {  	_ =	shalt  }
0x61: {  	_ =	shalt  }
0x62: {  	_ =	shalt  }
0x63: {  	_ =	shalt  }
0x64: {  	_ =	shalt  }
0x65: {  	_ =	shalt  }
0x66: {  	_ =	shalt  }
0x67: {  	_ =	shalt  }
0x68: {  	_ =	shalt  }
0x69: {  	_ =	shalt  }
0x6a: {  	_ =	shalt  }
0x6b: {  	_ =	shalt  }
0x6c: {  	_ =	shalt  }
0x6d: {  	_ =	shalt  }
0x6e: {  	_ =	shalt  }
0x6f: {  	_ =	shalt  }
0x70: {  	_ =	shalt  }
0x71: {  	_ =	shalt  }
0x72: {  	_ =	shalt  }
0x73: {  	_ =	shalt  }
0x74: {  	_ =	shalt  }
0x75: {  	_ =	shalt  }
0x76: {  	_ =	shalt  }
0x77: {  	_ =	shalt  }
0x78: {  	_ =	shalt  }
0x79: {  	_ =	shalt  }
0x7a: {  	_ =	shalt  }
0x7b: {  	_ =	shalt  }
0x7c: {  	_ =	shalt  }
0x7d: {  	_ =	shalt  }
0x7e: {  	_ =	shalt  }
0x7f: {  	_ =	shalt  }
0x80: {  	_ =	shalt  }
0x81: {  	_ =	shalt  }
0x82: {  	_ =	shalt  }
0x83: {  	_ =	shalt  }
0x84: {  	_ =	shalt  }
0x85: {  	_ =	shalt  }
0x86: {  	_ =	shalt  }
0x87: {  	_ =	shalt  }
.Lfunc_end0:
.L_simem_size_0:
called_computation_lowered:
.L_overlay_start_0:
0x88: {  	s2 =	sld [smem:$0x3FD9]  }
0x89: {  	s3 =	sld [smem:$0x3FFE];
	_ =	sdelay $0x1  }
0x8a: {  	s1 =	srdreg.scid  }
0x8b: {  	s0 =	sand.u32 $0x1, s1  }
0x8c: {  	s17 =	sshll.u32 s0, $0xA;
	s2 =	sadd.s32 s3, s2  }
0x8d: {  	s2 =	sadd.s32 s2, s17  }
0x8e: {  	[smem:$0x3FC6] =	sst s2  }
0x8f: {  	_ = 	snop  }
0x90: {  	s2 =	sld [smem:$0x3FD0];
	(tm) =	ssettm $0x1  }
0x91: {  	s18 =	sld [smem:$0x3FFB];
	_ =	sdelay $0x3  }
0x92: {  	_ =	strace s18  }
0x93: {  	s3 =	sld [smem:$0x3FFC];
	_ =	sdelay $0x3  }
0x94: {  	_ =	strace s3  }
0x95: {  	s3 =	sld [smem:$0x3FFD];
	_ =	sdelay $0x3  }
0x96: {  	_ =	strace s3  }
0x97: {  	_ =	strace $0x8FFFFFFF  }
0x98: {  	s19 =	sld [smem:$0x3FDB];
	_ =	sdelay $0x1  }
0x99: {  	s4 =	simm.s32 $_scs_section_size  }
0x9a: {  	s5 =	simm.s32 $_size__tile_overlayer_lowered;
	s6 =	simm.s32 $_tile_overlayer_lowered  }
0x9b: {  	s22 =	simm.s32 $0x1BFF;
	s21 =	sshll.u32 s6, $0x1;
	s3 =	sadd.s32 s4, s19  }
0x9c: {  	s7 =	simm.s32 $0x0;
	s20 =	sshll.u32 s5, $0x1;
	s5 =	sadd.s32 s21, s3  }
0x9d: {  	[timem:s7], [sflag:s22] =	dma.local [hbm:s5], s20  }
0x9e: {  	_ =	swait.ge [sflag:s22], s20  }
0x9f: {  	s4 =	ssub.s32 $0x0, s20;
	[sflag:s22] =	ssyncset.done $0x0  }
0xa0: {  	[sflag:s22] =	ssyncadd.s32 s4;
	_ =	sdelay $0x1  }
0xa1: {  	s23 =	simm.s32 $0x1B8B  }
0xa2: {  	_ =	swait.ge [sflag:s23], $0x1  }
0xa3: {  	[sflag:s23] =	ssyncset.done $0x0  }
0xa4: {  	s25 =	simm.s32 $0x1B8E;
	s24 =	sld [smem:$0x3FFE];
	[sflag:s23] =	ssyncadd.s32 $0xFFFFFFFF  }
0xa5: {  	s26 =	simm.s32 $execute0_lowered;
	[smem:$0x3FD2] =	sst s25  }
0xa6: {  	s5 =	sshll.u32 s26, $0x1;
	_ =	strace $0x80000046;
	[dreg:$0x1] =	wrdreg $0xFFFFFFFF  }
0xa7: {  	s28 =	simm.s32 $_size_execute0_lowered;
	s3 =	sadd.s32 s3, s5;
	[dreg:$0x0] =	wrdreg $0x0  }
0xa8: {  	s5 =	sshll.u32 s28, $0x1;
	[dreg:$0x2] =	wrdreg s3  }
0xa9: {  	[dreg:$0x3] =	wrdreg s5  }
0xaa: {  	[dreg:$0x4] =	wrdreg $0xC0  }
0xab: {  	_ =	task [dreg:s7], $0x5FFFF  }
0xac: {  	[dreg:$0x1] =	wrdreg $0xFFFFFFFF  }
0xad: {  	[dreg:$0x0] =	wrdreg $0x60  }
0xae: {  	[dreg:$0x2] =	wrdreg s24  }
0xaf: {  	[dreg:$0x3] =	wrdreg s2  }
0xb0: {  	[dreg:$0x4] =	wrdreg $0x9  }
0xb1: {  	_ =	task.clear_ibuf [dreg:s7], $0x5FFFF;
	_ =	strace $0x90000046  }
0xb2: {  	s29 =	simm.s32 $0x9;
	_ =	strace $0x80000048  }
0xb3: {  	_ =	swait.ge [sflag:s29], $0x1  }
0xb4: {  	[sflag:s29] =	ssyncadd.s32 $0xFFFFFFFF  }
0xb5: {  	_ =	strace $0x90000048  }
0xb6: {  	_ =	sfence  }
0xb7: {  	s30 =	sld [smem:$0x0];
	_ =	sdelay $0x2  }
0xb8: {  	s31 =	sshll.u32 s1, $0xD;
	s1 =	sshrl.u32 s1, $0x2  }
0xb9: {  	s3 =	sand.u32 $0x4000, s31;
	s1 =	sadd.s32 s1, s30  }
0xba: {  	s0 =	sor.u32 s3, s0;
	s1 =	sshll.u32 s1, $0x11  }
0xbb: {  	s0 =	sor.u32 s1, s0  }
0xbc: {  	s0 =	sadd.s32 $0x8F2B, s0  }
0xbd: {  	[sflag:s0] =	ssyncadd.remote.s32 $0x1  }
0xbe: {  	_ =	sfence.sel $0xFFFF  }
0xbf: {  	[dreg:$0x0] =	wrdreg $0xFFFFFFFF;
	(pc) =	sbr.abs _section_cstart, $3  }
0xc0: {  	[dreg:$0x1] =	wrdreg $0xFFFFFFFF  }
0xc1: {  	_ =	task.clear_ibuf [dreg:s7], $0x2FFFF;
	_ =	strace $0x9FFFFFFF  }
0xc2: {  	(tm) =	ssettm $0x7FFFFFFF  }
0xc3: {  	_ =	shalt  }
tec
execute0_lowered:
.L_overlay_start_1:
0x0: {  	(tag) =	ssettag $0x1  }
0x1: {  	s4 =	rddreg [dreg:$0x0]  }
0x2: {  	s1 =	srdreg.scid;
	s0 =	stileid.u32  }
0x3: {  	s2 =	rddreg [dreg:$0x1];
	s3 =	simm.s32 $0x0;
	s11 =	simm.s32 $0x80  }
0x4: {  	s12 =	simm.s32 $0x1000;
	s13 =	simm.s32 $0x5;
	s14 =	simm.s32 $0x1900  }
0x5: {  	s15 =	simm.s32 $0x3900;
	s16 =	simm.s32 $0x1;
	s17 =	simm.s32 $0x5900  }
0x6: {  	s18 =	simm.s32 $0x2;
	s19 =	simm.s32 $0x7B00;
	s20 =	simm.s32 $0x3  }
0x7: {  	s21 =	simm.s32 $0x4;
	s5 =	sand.u32 $0x1, s1;
	s6 =	sshll.u32 s0, $0x1  }
0x8: {  	s22 =	simm.s32 $0x0;
	s1 =	rddreg [dreg:$0x2];
	s6 =	sor.u32 s5, s6  }
0x9: {  	[smem:$0x7FF] =	sst s3;
	s5 =	ssub.s32 $0x2, s5;
	s7 =	sshll.u32 s6, $0x4  }
0xa: {  	v0 =	vlaneseq.u32;
	_ =	strace $0x80000047;
	s8 =	sshrl.u32 s5, $0x1;
	s7 =	sadd.s32 s7, s4  }
0xb: {  	v0 =	vmul.u32 $0x88, v0;
	s4 =	sadd.s32 $0x6800, s4;
	s10 =	ssub.s32 s5, s8;
	s5 =	sshll.u32 s6, $0x7  }
0xc: {  	s6 =	sadd.s32 $0x400, s7;
	s7 =	sadd.s32 $0x8000, s2;
	s9 =	sadd.s32 s5, s2  }
0xd: {  	v1 =	vadd.s32 $0x880, v0;
	v2 =	vadd.s32 $0x1100, v0;
	v3 =	vadd.s32 $0x1980, v0;
	s10 =	smax.u32 s10, $0x1;
	s8 =	sadd.s32 $0x180000, s9;
	s9 =	sadd.s32 $0x188000, s9  }
.LBB2_1:
0xe: {  	[tilespmem:s3], [sflag:$0x5] =	stream.strided.gather [hbm4b:s6+s11], $0x1900, s12, s11, $0x38;
	[tilespmem:$0x9D00] =	vst v63  }
0xf: {  	_ =	swait.ge [sflag:s13], $0x1900  }
0x10: {  	[sflag:s13] =	ssyncset.done $0x0  }
0x11: {  	[sflag:s13] =	ssyncadd.s32 $0xFFFFE700  }
0x12: {  	[tilespmem:s14], [sflag:$0x1] =	stream.indirect.gather [hbm4b:s4+s11], $0x40, s3, s11, $0xb8;
	[tilespmem:$0x9D00] =	vst v63  }
0x13: {  	s23 =	simm.s32 $0x0  }
0x14: {  	[tilespmem:s15], [sflag:$0x2] =	stream.indirect.gather [hbm4b:s4+s11], $0x40, s11, s11, $0xb8;
	[tilespmem:$0x9D00] =	vst v63  }
.LBB2_2:
0x15: {  	_ =	swait.ge [sflag:s16], $0x2000  }
0x16: {  	p0 =	seq.s32 s23, $0x0;
	[sflag:s16] =	ssyncset.done $0x0  }
0x17: {  	s24 =	simm.s32 @!p0 $0x3;
	[sflag:s16] =	ssyncadd.s32 $0xFFFFE000  }
0x18: {  	s25 =	simm.s32 $0x3;
	_ =	swait.ge @!p0 [sflag:s24], $0x2000  }
0x19: {  	s31 =	simm.s32 $0x0;
	v4 =	vmov s25;
	[sflag:s24] =	ssyncset.done @!p0 $0x0  }
0x1a: {  	s26 =	simm.s32 $0x1;
	s25 =	simm.s32 $0x1980;
	v5 =	vand.u32 $0x7F, v4;
	v4 =	vmov s31;
	[sflag:s24] =	ssyncadd.s32 @!p0 $0xFFFFE000  }
0x1b: {  	v8 =	vadd.s32 v0, v5;
	v6 =	vand.u32 $0x7C, v4;
	v4 =	vmov s26;
	v7 =	vld [tilespmem:s25+$0x40]  }
0x1c: {  	v10 =	vadd.s32 v0, v6;
	v11 =	vand.u32 $0x7D, v4;
	v9 =	vld [tilespmem:s25+$0xFFFFFF80]  }
0x1d: {  	s30 =	simm.s32 $0x2;
	v12 =	vadd.s32 v0, v11;
	v4 =	vld [tilespmem:s25+$0xFFFFFFC0]  }
0x1e: {  	v13 =	vmov s30  }
0x1f: {  	v13 =	vand.u32 $0x7E, v13  }
0x20: {  	v15 =	vadd.s32 v0, v13;
	v14 =	vld [tilespmem:s25+$0x0];
	[tilespmem:v8+s17+$0x0] =	vst.idx.msk $0xffff, v7  }
0x21: {  	v8 =	vadd.s32 v1, v5;
	[tilespmem:v10+s17+$0x0] =	vst.idx.msk $0xffff, v9;
	v7 =	vld [tilespmem:s25+$0x50]  }
0x22: {  	v10 =	vadd.s32 v1, v6;
	[tilespmem:v12+s17+$0x0] =	vst.idx.msk $0xffff, v4;
	v9 =	vld [tilespmem:s25+$0xFFFFFF90]  }
0x23: {  	v12 =	vadd.s32 v1, v11;
	v4 =	vld [tilespmem:s25+$0xFFFFFFD0];
	_ =	sdelay $0x1  }
0x24: {  	[tilespmem:v15+s17+$0x0] =	vst.idx.msk $0xffff, v14  }
0x25: {  	v16 =	vadd.s32 v1, v13;
	v15 =	vld [tilespmem:s25+$0x10];
	[tilespmem:v8+s17+$0x0] =	vst.idx.msk $0xffff, v7  }
0x26: {  	s31 =	simm.s32 $0x7;
	v14 =	vadd.s32 v2, v5;
	[tilespmem:v10+s17+$0x0] =	vst.idx.msk $0xffff, v9;
	v7 =	vld [tilespmem:s25+$0x60]  }
0x27: {  	v10 =	vadd.s32 v2, v6;
	v8 =	vmov s31;
	[tilespmem:v12+s17+$0x0] =	vst.idx.msk $0xffff, v4;
	v9 =	vld [tilespmem:s25+$0xFFFFFFA0]  }
0x28: {  	v17 =	vadd.s32 v2, v11;
	s24 =	simm.s32 $0x1A80;
	v8 =	vand.u32 $0x7F, v8;
	v12 =	vld [tilespmem:s25+$0xFFFFFFE0]  }
0x29: {  	s26 =	simm.s32 $0x4;
	v18 =	vld [tilespmem:s24+$0x40];
	v19 =	vadd.s32 v0, v8  }
0x2a: {  	s30 =	simm.s32 $0x5;
	v4 =	vmov s26;
	[tilespmem:v16+s17+$0x0] =	vst.idx.msk $0xffff, v15  }
0x2b: {  	v22 =	vmov s30;
	v4 =	vand.u32 $0x7C, v4;
	[tilespmem:v14+s17+$0x0] =	vst.idx.msk $0xffff, v7  }
0x2c: {  	v20 =	vld [tilespmem:s24+$0xFFFFFF80];
	s31 =	simm.s32 $0x6;
	v21 =	vadd.s32 v0, v4;
	v7 =	vand.u32 $0x7D, v22;
	[tilespmem:v10+s17+$0x0] =	vst.idx.msk $0xffff, v9  }
0x2d: {  	v14 =	vmov s31;
	v9 =	vld [tilespmem:s24+$0xFFFFFFC0];
	[tilespmem:v17+s17+$0x0] =	vst.idx.msk $0xffff, v12;
	v10 =	vadd.s32 v0, v7  }
0x2e: {  	v16 =	vadd.s32 v3, v5;
	v12 =	vld [tilespmem:s25+$0x20];
	v5 =	vand.u32 $0x7E, v14;
	[tilespmem:v19+s17+$0x0] =	vst.idx.msk $0xffff, v18;
	v18 =	vadd.s32 v2, v13  }
0x2f: {  	v14 =	vld [tilespmem:s24+$0x0];
	v63 =	vadd.s32 v0, v5  }
0x30: {  	v15 =	vld [tilespmem:s25+$0x70]  }
0x31: {  	[tilespmem:v21+s17+$0x0] =	vst.idx.msk $0xffff, v20;
	v20 =	vadd.s32 v1, v8;
	v19 =	vld [tilespmem:s24+$0x50]  }
0x32: {  	v23 =	vadd.s32 v1, v4;
	v21 =	vld [tilespmem:s24+$0xFFFFFF90];
	[tilespmem:v10+s17+$0x0] =	vst.idx.msk $0xffff, v9  }
0x33: {  	v25 =	vadd.s32 v3, v11;
	v24 =	vld [tilespmem:s25+$0xFFFFFFF0];
	[tilespmem:v18+s17+$0x0] =	vst.idx.msk $0xffff, v12  }
0x34: {  	v18 =	vadd.s32 v1, v7;
	v17 =	vld [tilespmem:s24+$0xFFFFFFD0];
	[tilespmem:v63+s17+$0x0] =	vst.idx.msk $0xffff, v14  }
0x35: {  	[tilespmem:v16+s17+$0x0] =	vst.idx.msk $0xffff, v15;
	v16 =	vadd.s32 v1, v5;
	v15 =	vld [tilespmem:s24+$0x10]  }
0x36: {  	[tilespmem:v20+s17+$0x0] =	vst.idx.msk $0xffff, v19;
	v11 =	vld [tilespmem:s25+$0x30];
	v14 =	vadd.s32 v3, v13  }
0x37: {  	v12 =	vadd.s32 v2, v8;
	[tilespmem:v23+s17+$0x0] =	vst.idx.msk $0xffff, v21;
	v9 =	vld [tilespmem:s24+$0x60]  }
0x38: {  	s29 =	simm.s32 $0xB;
	s28 =	simm.s32 $0xC;
	s26 =	simm.s32 $0x8;
	[tilespmem:v25+s17+$0x0] =	vst.idx.msk $0xffff, v24;
	v13 =	vadd.s32 v2, v4;
	v10 =	vld [tilespmem:s24+$0xFFFFFFA0]  }
.LBB2_3:
0x39: {  	p1 =	slt.u32 s28, $0x7C;
	v19 =	vmov s29;
	[tilespmem:v18+s17+$0x0] =	vst.idx.msk $0xffff, v17;
	v17 =	vld [tilespmem:s25+$0xFFFFFFB0];
	v18 =	vadd.s32 v3, v6;
	v6 =	vmov v4;
	s25 =	smov.u32 s24  }
0x3a: {  	v4 =	vmov s26;
	v21 =	vadd.s32 v2, v7;
	s24 =	sadd.s32 $0x100, s24;
	v19 =	vand.u32 $0x7F, v19;
	v20 =	vld [tilespmem:s25+$0xFFFFFFE0];
	[tilespmem:v16+s17+$0x0] =	vst.idx.msk $0xffff, v15  }
0x3b: {  	s29 =	sadd.s32 $0x1, s26;
	v4 =	vand.u32 $0x7C, v4;
	v15 =	vld [tilespmem:s24+$0x40];
	v16 =	vadd.s32 v0, v19;
	[tilespmem:v14+s17+$0x0] =	vst.idx.msk $0xffff, v11  }
0x3c: {  	v22 =	vmov s29;
	s29 =	sadd.s32 $0x2, s26;
	s26 =	smov.u32 s28;
	v14 =	vadd.s32 v0, v4;
	v11 =	vld [tilespmem:s24+$0xFFFFFF80];
	[tilespmem:v12+s17+$0x0] =	vst.idx.msk $0xffff, v9  }
0x3d: {  	v9 =	vand.u32 $0x7D, v22;
	v12 =	vmov s29;
	[tilespmem:v13+s17+$0x0] =	vst.idx.msk $0xffff, v10;
	v10 =	vld [tilespmem:s25+$0x70];
	v13 =	vadd.s32 v3, v8;
	v8 =	vmovc v19  }
0x3e: {  	v22 =	vadd.s32 v0, v9;
	v12 =	vand.u32 $0x7E, v12;
	v19 =	vld [tilespmem:s24+$0xFFFFFFC0];
	[tilespmem:v18+s17+$0x0] =	vst.idx.msk $0xffff, v17  }
0x3f: {  	v24 =	vadd.s32 v0, v12;
	v23 =	vld [tilespmem:s24+$0x0];
	[tilespmem:v21+s17+$0x0] =	vst.idx.msk $0xffff, v20  }
0x40: {  	v21 =	vadd.s32 v2, v5;
	[tilespmem:v16+s17+$0x0] =	vst.idx.msk $0xffff, v15;
	v20 =	vld [tilespmem:s25+$0x20]  }
0x41: {  	[tilespmem:v14+s17+$0x0] =	vst.idx.msk $0xffff, v11;
	v11 =	vld [tilespmem:s24+$0x50];
	v14 =	vadd.s32 v1, v8  }
0x42: {  	v26 =	vadd.s32 v1, v4;
	v25 =	vld [tilespmem:s24+$0xFFFFFF90];
	[tilespmem:v13+s17+$0x0] =	vst.idx.msk $0xffff, v10  }
0x43: {  	[tilespmem:v22+s17+$0x0] =	vst.idx.msk $0xffff, v19;
	v19 =	vld [tilespmem:s25+$0xFFFFFFF0];
	v22 =	vadd.s32 v3, v7;
	v7 =	vmov v9  }
.Ltmp0:
0x44: {  	v17 =	vld [tilespmem:s24+$0xFFFFFFD0];
	v18 =	vadd.s32 v1, v7;
	[tilespmem:v24+s17+$0x0] =	vst.idx.msk $0xffff, v23;
	(pc) =	sbr.rel @p1 .LBB2_3-.Ltmp0, $4  }
0x45: {  	v16 =	vadd.s32 v1, v12;
	v15 =	vld [tilespmem:s24+$0x10];
	[tilespmem:v21+s17+$0x0] =	vst.idx.msk $0xffff, v20  }
0x46: {  	[tilespmem:v14+s17+$0x0] =	vst.idx.msk $0xffff, v11;
	v11 =	vld [tilespmem:s25+$0x30];
	v14 =	vadd.s32 v3, v5;
	v5 =	vmov v12  }
0x47: {  	v12 =	vadd.s32 v2, v8;
	[tilespmem:v26+s17+$0x0] =	vst.idx.msk $0xffff, v25;
	v9 =	vld [tilespmem:s24+$0x60]  }
0x48: {  	s28 =	sadd.s32 $0x4, s28;
	s29 =	sadd.s32 $0x3, s26;
	v13 =	vadd.s32 v2, v4;
	v10 =	vld [tilespmem:s24+$0xFFFFFFA0];
	[tilespmem:v22+s17+$0x0] =	vst.idx.msk $0xffff, v19  }
0x49: {  	_ =	sdelay $0x2  }
0x4a: {  	v19 =	vmov s29  }
0x4b: {  	s28 =	sadd.s32 $0x1, s26;
	[tilespmem:v18+s17+$0x0] =	vst.idx.msk $0xffff, v17;
	v30 =	vld [tilespmem:s25+$0xFFFFFFB0];
	v6 =	vadd.s32 v3, v6;
	s31 =	sadd.s32 $0x100, s24;
	v21 =	vmov s26;
	v31 =	vand.u32 $0x7F, v19  }
0x4c: {  	v32 =	vmov s28;
	s28 =	sadd.s32 $0x2, s26;
	[tilespmem:v16+s17+$0x0] =	vst.idx.msk $0xffff, v15;
	v33 =	vld [tilespmem:s31+$0x40];
	v21 =	vand.u32 $0x7C, v21;
	v34 =	vadd.s32 v0, v31  }
0x4d: {  	v22 =	vld [tilespmem:s31+$0xFFFFFF80];
	v19 =	vand.u32 $0x7D, v32;
	v20 =	vmov s28;
	[tilespmem:v14+s17+$0x0] =	vst.idx.msk $0xffff, v11;
	v39 =	vadd.s32 v0, v21  }
0x4e: {  	v35 =	vld [tilespmem:s31+$0xFFFFFFC0];
	v36 =	vadd.s32 v0, v19;
	v20 =	vand.u32 $0x7E, v20;
	[tilespmem:v12+s17+$0x0] =	vst.idx.msk $0xffff, v9  }
0x4f: {  	v37 =	vld [tilespmem:s31+$0x0];
	v38 =	vadd.s32 v0, v20;
	[tilespmem:v13+s17+$0x0] =	vst.idx.msk $0xffff, v10  }
0x50: {  	v41 =	vadd.s32 v2, v7;
	v40 =	vld [tilespmem:s24+$0xFFFFFFE0];
	[tilespmem:v6+s17+$0x0] =	vst.idx.msk $0xffff, v30  }
0x51: {  	v49 =	vadd.s32 v2, v5;
	v48 =	vld [tilespmem:s24+$0x20];
	[tilespmem:v34+s17+$0x0] =	vst.idx.msk $0xffff, v33  }
0x52: {  	v43 =	vadd.s32 v1, v31;
	[tilespmem:v39+s17+$0x0] =	vst.idx.msk $0xffff, v22;
	v15 =	vld [tilespmem:s31+$0x50]  }
0x53: {  	v47 =	vadd.s32 v1, v21;
	[tilespmem:v36+s17+$0x0] =	vst.idx.msk $0xffff, v35;
	v46 =	vld [tilespmem:s31+$0xFFFFFF90]  }
0x54: {  	v44 =	vadd.s32 v1, v19;
	v11 =	vld [tilespmem:s31+$0xFFFFFFD0];
	[tilespmem:v38+s17+$0x0] =	vst.idx.msk $0xffff, v37  }
0x55: {  	v45 =	vadd.s32 v1, v20;
	[tilespmem:v41+s17+$0x0] =	vst.idx.msk $0xffff, v40;
	v9 =	vld [tilespmem:s31+$0x10]  }
0x56: {  	v8 =	vadd.s32 v3, v8;
	v42 =	vld [tilespmem:s24+$0x70];
	[tilespmem:v49+s17+$0x0] =	vst.idx.msk $0xffff, v48  }
0x57: {  	v5 =	vadd.s32 v3, v5;
	v13 =	vld [tilespmem:s24+$0x30];
	[tilespmem:v43+s17+$0x0] =	vst.idx.msk $0xffff, v15  }
0x58: {  	v52 =	vadd.s32 v2, v31;
	[tilespmem:v47+s17+$0x0] =	vst.idx.msk $0xffff, v46;
	v15 =	vld [tilespmem:s31+$0x60]  }
0x59: {  	v57 =	vadd.s32 v2, v21;
	[tilespmem:v44+s17+$0x0] =	vst.idx.msk $0xffff, v11;
	v56 =	vld [tilespmem:s31+$0xFFFFFFA0]  }
0x5a: {  	v53 =	vadd.s32 v2, v19;
	v11 =	vld [tilespmem:s31+$0xFFFFFFE0];
	[tilespmem:v45+s17+$0x0] =	vst.idx.msk $0xffff, v9  }
0x5b: {  	v55 =	vadd.s32 v2, v20;
	[tilespmem:v8+s17+$0x0] =	vst.idx.msk $0xffff, v42;
	v54 =	vld [tilespmem:s31+$0x20]  }
0x5c: {  	v4 =	vadd.s32 v3, v4;
	v58 =	vld [tilespmem:s24+$0xFFFFFFB0];
	[tilespmem:v5+s17+$0x0] =	vst.idx.msk $0xffff, v13  }
0x5d: {  	v51 =	vadd.s32 v3, v7;
	v50 =	vld [tilespmem:s24+$0xFFFFFFF0];
	[tilespmem:v52+s17+$0x0] =	vst.idx.msk $0xffff, v15  }
0x5e: {  	v60 =	vadd.s32 v3, v31;
	[tilespmem:v57+s17+$0x0] =	vst.idx.msk $0xffff, v56;
	v59 =	vld [tilespmem:s31+$0x70]  }
0x5f: {  	v63 =	vadd.s32 v3, v21;
	[tilespmem:v53+s17+$0x0] =	vst.idx.msk $0xffff, v11;
	v5 =	vld [tilespmem:s31+$0xFFFFFFB0]  }
0x60: {  	v61 =	vadd.s32 v3, v19;
	v11 =	vld [tilespmem:s31+$0xFFFFFFF0];
	[tilespmem:v55+s17+$0x0] =	vst.idx.msk $0xffff, v54  }
0x61: {  	v62 =	vadd.s32 v3, v20;
	[tilespmem:v4+s17+$0x0] =	vst.idx.msk $0xffff, v58;
	v6 =	vld [tilespmem:s31+$0x30]  }
0x62: {  	[tilespmem:v51+s17+$0x0] =	vst.idx.msk $0xffff, v50  }
0x63: {  	[tilespmem:v60+s17+$0x0] =	vst.idx.msk $0xffff, v59  }
0x64: {  	s26 =	sshll.u32 s23, $0x10;
	[tilespmem:v63+s17+$0x0] =	vst.idx.msk $0xffff, v5  }
0x65: {  	s24 =	sor.u32 s5, s26;
	[tilespmem:v61+s17+$0x0] =	vst.idx.msk $0xffff, v11  }
0x66: {  	s26 =	sadd.s32 s2, s24;
	s31 =	simm.s32 $0x5900;
	[tilespmem:v62+s17+$0x0] =	vst.idx.msk $0xffff, v6  }
0x67: {  	[hbm4b:s26+s3] =	stream.linear.scatter [tilespmem:s31], [sflag:$0x3], $0x80, $0x38;
	[tilespmem:$0x9D00] =	vst v63  }
0x68: {  	s28 =	sadd.s32 $0x10, s26;
	s31 =	simm.s32 $0x5988  }
0x69: {  	[hbm4b:s28+s3] =	stream.linear.scatter [tilespmem:s31], [sflag:$0x3], $0x80, $0x38;
	[tilespmem:$0x9D00] =	vst v63  }
0x6a: {  	s31 =	simm.s32 $0x5A10;
	s28 =	sadd.s32 $0x20, s26  }
0x6b: {  	[hbm4b:s28+s3] =	stream.linear.scatter [tilespmem:s31], [sflag:$0x3], $0x80, $0x38;
	[tilespmem:$0x9D00] =	vst v63  }
0x6c: {  	s31 =	simm.s32 $0x5A98;
	s28 =	sadd.s32 $0x30, s26  }
0x6d: {  	[hbm4b:s28+s3] =	stream.linear.scatter [tilespmem:s31], [sflag:$0x3], $0x80, $0x38;
	[tilespmem:$0x9D00] =	vst v63  }
0x6e: {  	s31 =	simm.s32 $0x5B20;
	s28 =	sadd.s32 $0x40, s26  }
0x6f: {  	[hbm4b:s28+s3] =	stream.linear.scatter [tilespmem:s31], [sflag:$0x3], $0x80, $0x38;
	[tilespmem:$0x9D00] =	vst v63  }
0x70: {  	s25 =	simm.s32 $0x440;
	s31 =	simm.s32 $0x5BA8;
	s28 =	sadd.s32 $0x50, s26  }
0x71: {  	[hbm4b:s28+s3] =	stream.linear.scatter [tilespmem:s31], [sflag:$0x3], $0x80, $0x38;
	[tilespmem:$0x9D00] =	vst v63  }
0x72: {  	s29 =	simm.s32 $0x5CB8;
	s31 =	simm.s32 $0x5C30;
	s28 =	sadd.s32 $0x60, s26  }
0x73: {  	[hbm4b:s28+s3] =	stream.linear.scatter [tilespmem:s31], [sflag:$0x3], $0x80, $0x38;
	[tilespmem:$0x9D00] =	vst v63  }
0x74: {  	s30 =	sadd.s32 $0x70, s26;
	s26 =	sadd.s32 $0x1000, s26;
	s28 =	simm.s32 $0x2200  }
.LBB2_5:
0x75: {  	[hbm4b:s30+s3] =	stream.linear.scatter [tilespmem:s29], [sflag:$0x3], $0x80, $0x38;
	[tilespmem:$0x9D00] =	vst v63  }
0x76: {  	s29 =	smov.u32 s25;
	s25 =	smov.u32 s28  }
0x77: {  	s31 =	sadd.s32 $0x1100, s28;
	s25 =	sshra.s32 s25, $0x2;
	s30 =	sadd.s32 $0x5900, s29  }
0x78: {  	[hbm4b:s26+s3] =	stream.linear.scatter [tilespmem:s30], [sflag:$0x3], $0x80, $0x38;
	[tilespmem:$0x9D00] =	vst v63  }
0x79: {  	p1 =	sne.s32 s28, $0x7700;
	s28 =	sadd.s32 $0x5988, s29;
	s30 =	sadd.s32 $0x10, s26  }
0x7a: {  	[hbm4b:s30+s3] =	stream.linear.scatter [tilespmem:s28], [sflag:$0x3], $0x80, $0x38;
	[tilespmem:$0x9D00] =	vst v63  }
0x7b: {  	s28 =	sadd.s32 $0x5A10, s29;
	s30 =	sadd.s32 $0x20, s26  }
0x7c: {  	[hbm4b:s30+s3] =	stream.linear.scatter [tilespmem:s28], [sflag:$0x3], $0x80, $0x38;
	[tilespmem:$0x9D00] =	vst v63  }
0x7d: {  	s28 =	sadd.s32 $0x5A98, s29;
	s30 =	sadd.s32 $0x30, s26  }
0x7e: {  	[hbm4b:s30+s3] =	stream.linear.scatter [tilespmem:s28], [sflag:$0x3], $0x80, $0x38;
	[tilespmem:$0x9D00] =	vst v63  }
0x7f: {  	s28 =	sadd.s32 $0x5B20, s29;
	s30 =	sadd.s32 $0x40, s26  }
0x80: {  	[hbm4b:s30+s3] =	stream.linear.scatter [tilespmem:s28], [sflag:$0x3], $0x80, $0x38;
	[tilespmem:$0x9D00] =	vst v63  }
.Ltmp1:
0x81: {  	s28 =	sadd.s32 $0x5BA8, s29;
	s30 =	sadd.s32 $0x50, s26;
	(pc) =	sbr.rel @p1 .LBB2_5-.Ltmp1, $4  }
0x82: {  	[hbm4b:s30+s3] =	stream.linear.scatter [tilespmem:s28], [sflag:$0x3], $0x80, $0x38;
	[tilespmem:$0x9D00] =	vst v63  }
0x83: {  	s28 =	sadd.s32 $0x5C30, s29;
	s30 =	sadd.s32 $0x60, s26;
	s29 =	sadd.s32 $0x5CB8, s29  }
0x84: {  	[hbm4b:s30+s3] =	stream.linear.scatter [tilespmem:s28], [sflag:$0x3], $0x80, $0x38;
	[tilespmem:$0x9D00] =	vst v63  }
0x85: {  	s30 =	sadd.s32 $0x70, s26;
	s26 =	sadd.s32 $0x1000, s26;
	s28 =	smov.u32 s31  }
0x86: {  	[hbm4b:s30+s3] =	stream.linear.scatter [tilespmem:s29], [sflag:$0x3], $0x80, $0x38;
	[tilespmem:$0x9D00] =	vst v63  }
0x87: {  	s28 =	sadd.s32 $0x5900, s25  }
0x88: {  	[hbm4b:s26+s3] =	stream.linear.scatter [tilespmem:s28], [sflag:$0x3], $0x80, $0x38;
	[tilespmem:$0x9D00] =	vst v63  }
0x89: {  	s29 =	sadd.s32 $0x10, s26;
	s28 =	sadd.s32 $0x5988, s25  }
0x8a: {  	[hbm4b:s29+s3] =	stream.linear.scatter [tilespmem:s28], [sflag:$0x3], $0x80, $0x38;
	[tilespmem:$0x9D00] =	vst v63  }
0x8b: {  	s28 =	sadd.s32 $0x5A10, s25;
	s29 =	sadd.s32 $0x20, s26  }
0x8c: {  	[hbm4b:s29+s3] =	stream.linear.scatter [tilespmem:s28], [sflag:$0x3], $0x80, $0x38;
	[tilespmem:$0x9D00] =	vst v63  }
0x8d: {  	s28 =	sadd.s32 $0x5A98, s25;
	s29 =	sadd.s32 $0x30, s26  }
0x8e: {  	[hbm4b:s29+s3] =	stream.linear.scatter [tilespmem:s28], [sflag:$0x3], $0x80, $0x38;
	[tilespmem:$0x9D00] =	vst v63  }
0x8f: {  	s28 =	sadd.s32 $0x5B20, s25;
	s29 =	sadd.s32 $0x40, s26  }
0x90: {  	[hbm4b:s29+s3] =	stream.linear.scatter [tilespmem:s28], [sflag:$0x3], $0x80, $0x38;
	[tilespmem:$0x9D00] =	vst v63  }
0x91: {  	s28 =	sadd.s32 $0x5BA8, s25;
	s29 =	sadd.s32 $0x50, s26  }
0x92: {  	[hbm4b:s29+s3] =	stream.linear.scatter [tilespmem:s28], [sflag:$0x3], $0x80, $0x38;
	[tilespmem:$0x9D00] =	vst v63  }
0x93: {  	s28 =	sadd.s32 $0x5C30, s25;
	s29 =	sadd.s32 $0x60, s26  }
0x94: {  	[hbm4b:s29+s3] =	stream.linear.scatter [tilespmem:s28], [sflag:$0x3], $0x80, $0x38;
	[tilespmem:$0x9D00] =	vst v63  }
0x95: {  	s25 =	sadd.s32 $0x5CB8, s25;
	s26 =	sadd.s32 $0x70, s26  }
0x96: {  	[hbm4b:s26+s3] =	stream.linear.scatter [tilespmem:s25], [sflag:$0x3], $0x80, $0x38;
	[tilespmem:$0x9D00] =	vst v63  }
0x97: {  	s26 =	sshll.u32 s23, $0x8  }
0x98: {  	s25 =	sand.u32 $0x3FFFFF00, s26  }
0x99: {  	s26 =	sadd.s32 $0x100, s25  }
0x9a: {  	[tilespmem:s14], [sflag:$0x1] =	stream.indirect.gather [hbm4b:s4+s11], $0x40, s26, s11, $0xb8;
	[tilespmem:$0x9D00] =	vst v63  }
0x9b: {  	_ =	swait.ge [sflag:s18], $0x2000  }
0x9c: {  	[sflag:s18] =	ssyncset.done $0x0  }
0x9d: {  	s26 =	simm.s32 @!p0 $0x4;
	[sflag:s18] =	ssyncadd.s32 $0xFFFFE000  }
0x9e: {  	_ =	swait.ge @!p0 [sflag:s26], $0x2000  }
0x9f: {  	s28 =	simm.s32 $0x3;
	[sflag:s26] =	ssyncset.done @!p0 $0x0  }
0xa0: {  	v4 =	vmov s28;
	[sflag:s26] =	ssyncadd.s32 @!p0 $0xFFFFE000;
	s26 =	simm.s32 $0x0  }
0xa1: {  	s28 =	simm.s32 $0x39F0;
	v5 =	vand.u32 $0x7F, v4;
	v4 =	vmov s26  }
0xa2: {  	v8 =	vadd.s32 v0, v5;
	s26 =	simm.s32 $0x1;
	v7 =	vld [tilespmem:s28+$0xFFFFFFD0];
	v6 =	vand.u32 $0x7C, v4  }
0xa3: {  	v9 =	vld [tilespmem:s28+$0xFFFFFF10];
	v4 =	vmov s26;
	v10 =	vadd.s32 v0, v6  }
0xa4: {  	s26 =	simm.s32 $0x2;
	v11 =	vand.u32 $0x7D, v4  }
0xa5: {  	v4 =	vld [tilespmem:s28+$0xFFFFFF50];
	v13 =	vmov s26;
	v12 =	vadd.s32 v0, v11  }
0xa6: {  	v13 =	vand.u32 $0x7E, v13  }
0xa7: {  	v14 =	vld [tilespmem:s28+$0xFFFFFF90];
	v15 =	vadd.s32 v0, v13;
	[tilespmem:v8+s19+$0x0] =	vst.idx.msk $0xffff, v7  }
0xa8: {  	v8 =	vadd.s32 v1, v5;
	v7 =	vld [tilespmem:s28+$0xFFFFFFE0];
	[tilespmem:v10+s19+$0x0] =	vst.idx.msk $0xffff, v9  }
0xa9: {  	v10 =	vadd.s32 v1, v6;
	v9 =	vld [tilespmem:s28+$0xFFFFFF20]  }
0xaa: {  	[tilespmem:v12+s19+$0x0] =	vst.idx.msk $0xffff, v4  }
0xab: {  	v12 =	vadd.s32 v1, v11;
	v4 =	vld [tilespmem:s28+$0xFFFFFF60]  }
0xac: {  	[tilespmem:v15+s19+$0x0] =	vst.idx.msk $0xffff, v14  }
0xad: {  	s26 =	simm.s32 $0x7;
	v16 =	vadd.s32 v1, v13;
	v15 =	vld [tilespmem:s28+$0xFFFFFFA0];
	[tilespmem:v8+s19+$0x0] =	vst.idx.msk $0xffff, v7  }
0xae: {  	v14 =	vadd.s32 v2, v5;
	v8 =	vmov s26;
	v7 =	vld [tilespmem:s28+$0xFFFFFFF0];
	[tilespmem:v10+s19+$0x0] =	vst.idx.msk $0xffff, v9  }
0xaf: {  	s26 =	simm.s32 $0x3AF0;
	v8 =	vand.u32 $0x7F, v8;
	v10 =	vadd.s32 v2, v6;
	v9 =	vld [tilespmem:s28+$0xFFFFFF30]  }
0xb0: {  	s29 =	simm.s32 $0x4;
	v18 =	vld [tilespmem:s26+$0xFFFFFFD0];
	v19 =	vadd.s32 v0, v8;
	[tilespmem:v12+s19+$0x0] =	vst.idx.msk $0xffff, v4  }
0xb1: {  	v17 =	vadd.s32 v2, v11;
	v4 =	vmov s29;
	s29 =	simm.s32 $0x5;
	v12 =	vld [tilespmem:s28+$0xFFFFFF70]  }
0xb2: {  	v4 =	vand.u32 $0x7C, v4;
	v22 =	vmov s29;
	s29 =	simm.s32 $0x6;
	[tilespmem:v16+s19+$0x0] =	vst.idx.msk $0xffff, v15  }
0xb3: {  	v20 =	vld [tilespmem:s26+$0xFFFFFF10];
	v21 =	vadd.s32 v0, v4;
	[tilespmem:v14+s19+$0x0] =	vst.idx.msk $0xffff, v7;
	v7 =	vand.u32 $0x7D, v22;
	v14 =	vmov s29  }
0xb4: {  	v16 =	vadd.s32 v3, v5;
	v5 =	vand.u32 $0x7E, v14;
	[tilespmem:v10+s19+$0x0] =	vst.idx.msk $0xffff, v9;
	v9 =	vld [tilespmem:s26+$0xFFFFFF50];
	v10 =	vadd.s32 v0, v7  }
0xb5: {  	v14 =	vld [tilespmem:s26+$0xFFFFFF90];
	[tilespmem:v19+s19+$0x0] =	vst.idx.msk $0xffff, v18;
	v63 =	vadd.s32 v0, v5  }
0xb6: {  	v18 =	vadd.s32 v2, v13;
	[tilespmem:v17+s19+$0x0] =	vst.idx.msk $0xffff, v12;
	v12 =	vld [tilespmem:s28+$0xFFFFFFB0]  }
0xb7: {  	v15 =	vld [tilespmem:s28+$0x0]  }
0xb8: {  	v19 =	vld [tilespmem:s26+$0xFFFFFFE0];
	[tilespmem:v21+s19+$0x0] =	vst.idx.msk $0xffff, v20;
	v20 =	vadd.s32 v1, v8  }
0xb9: {  	v23 =	vadd.s32 v1, v4;
	v21 =	vld [tilespmem:s26+$0xFFFFFF20];
	[tilespmem:v10+s19+$0x0] =	vst.idx.msk $0xffff, v9  }
0xba: {  	v25 =	vadd.s32 v3, v11;
	v24 =	vld [tilespmem:s28+$0xFFFFFF80];
	[tilespmem:v63+s19+$0x0] =	vst.idx.msk $0xffff, v14  }
0xbb: {  	v17 =	vld [tilespmem:s26+$0xFFFFFF60];
	[tilespmem:v18+s19+$0x0] =	vst.idx.msk $0xffff, v12;
	v18 =	vadd.s32 v1, v7  }
0xbc: {  	[tilespmem:v16+s19+$0x0] =	vst.idx.msk $0xffff, v15;
	v16 =	vadd.s32 v1, v5;
	v15 =	vld [tilespmem:s26+$0xFFFFFFA0]  }
0xbd: {  	v14 =	vadd.s32 v3, v13;
	[tilespmem:v20+s19+$0x0] =	vst.idx.msk $0xffff, v19;
	v11 =	vld [tilespmem:s28+$0xFFFFFFC0]  }
0xbe: {  	v12 =	vadd.s32 v2, v8;
	[tilespmem:v23+s19+$0x0] =	vst.idx.msk $0xffff, v21;
	v9 =	vld [tilespmem:s26+$0xFFFFFFF0]  }
0xbf: {  	s31 =	simm.s32 $0xB;
	s30 =	simm.s32 $0xC;
	s29 =	simm.s32 $0x8;
	v13 =	vadd.s32 v2, v4;
	[tilespmem:v25+s19+$0x0] =	vst.idx.msk $0xffff, v24;
	v10 =	vld [tilespmem:s26+$0xFFFFFF30]  }
.LBB2_7:
0xc0: {  	p0 =	slt.u32 s30, $0x7C;
	v19 =	vmov s31;
	[tilespmem:v18+s19+$0x0] =	vst.idx.msk $0xffff, v17;
	v17 =	vld [tilespmem:s28+$0xFFFFFF40];
	v18 =	vadd.s32 v3, v6;
	v6 =	vmov v4;
	s28 =	smov.u32 s26  }
0xc1: {  	v4 =	vmov s29;
	v21 =	vadd.s32 v2, v7;
	s26 =	sadd.s32 $0x100, s26;
	v19 =	vand.u32 $0x7F, v19;
	v20 =	vld [tilespmem:s28+$0xFFFFFF70];
	[tilespmem:v16+s19+$0x0] =	vst.idx.msk $0xffff, v15  }
0xc2: {  	s31 =	sadd.s32 $0x1, s29;
	v4 =	vand.u32 $0x7C, v4;
	v15 =	vld [tilespmem:s26+$0xFFFFFFD0];
	v16 =	vadd.s32 v0, v19;
	[tilespmem:v14+s19+$0x0] =	vst.idx.msk $0xffff, v11  }
0xc3: {  	v22 =	vmov s31;
	s31 =	sadd.s32 $0x2, s29;
	s29 =	smov.u32 s30;
	v14 =	vadd.s32 v0, v4;
	v11 =	vld [tilespmem:s26+$0xFFFFFF10];
	[tilespmem:v12+s19+$0x0] =	vst.idx.msk $0xffff, v9  }
0xc4: {  	v9 =	vand.u32 $0x7D, v22;
	v12 =	vmov s31;
	[tilespmem:v13+s19+$0x0] =	vst.idx.msk $0xffff, v10;
	v10 =	vld [tilespmem:s28+$0x0];
	v13 =	vadd.s32 v3, v8;
	v8 =	vmovc v19  }
0xc5: {  	v22 =	vadd.s32 v0, v9;
	v12 =	vand.u32 $0x7E, v12;
	v19 =	vld [tilespmem:s26+$0xFFFFFF50];
	[tilespmem:v18+s19+$0x0] =	vst.idx.msk $0xffff, v17  }
0xc6: {  	v24 =	vadd.s32 v0, v12;
	v23 =	vld [tilespmem:s26+$0xFFFFFF90];
	[tilespmem:v21+s19+$0x0] =	vst.idx.msk $0xffff, v20  }
0xc7: {  	v21 =	vadd.s32 v2, v5;
	[tilespmem:v16+s19+$0x0] =	vst.idx.msk $0xffff, v15;
	v20 =	vld [tilespmem:s28+$0xFFFFFFB0]  }
0xc8: {  	[tilespmem:v14+s19+$0x0] =	vst.idx.msk $0xffff, v11;
	v11 =	vld [tilespmem:s26+$0xFFFFFFE0];
	v14 =	vadd.s32 v1, v8  }
0xc9: {  	v26 =	vadd.s32 v1, v4;
	v25 =	vld [tilespmem:s26+$0xFFFFFF20];
	[tilespmem:v13+s19+$0x0] =	vst.idx.msk $0xffff, v10  }
0xca: {  	[tilespmem:v22+s19+$0x0] =	vst.idx.msk $0xffff, v19;
	v19 =	vld [tilespmem:s28+$0xFFFFFF80];
	v22 =	vadd.s32 v3, v7;
	v7 =	vmov v9  }
.Ltmp2:
0xcb: {  	v17 =	vld [tilespmem:s26+$0xFFFFFF60];
	v18 =	vadd.s32 v1, v7;
	[tilespmem:v24+s19+$0x0] =	vst.idx.msk $0xffff, v23;
	(pc) =	sbr.rel @p0 .LBB2_7-.Ltmp2, $4  }
0xcc: {  	v16 =	vadd.s32 v1, v12;
	v15 =	vld [tilespmem:s26+$0xFFFFFFA0];
	[tilespmem:v21+s19+$0x0] =	vst.idx.msk $0xffff, v20  }
0xcd: {  	[tilespmem:v14+s19+$0x0] =	vst.idx.msk $0xffff, v11;
	v11 =	vld [tilespmem:s28+$0xFFFFFFC0];
	v14 =	vadd.s32 v3, v5;
	v5 =	vmov v12  }
0xce: {  	v12 =	vadd.s32 v2, v8;
	[tilespmem:v26+s19+$0x0] =	vst.idx.msk $0xffff, v25;
	v9 =	vld [tilespmem:s26+$0xFFFFFFF0]  }
0xcf: {  	s30 =	sadd.s32 $0x4, s30;
	s31 =	sadd.s32 $0x3, s29;
	v13 =	vadd.s32 v2, v4;
	v10 =	vld [tilespmem:s26+$0xFFFFFF30];
	[tilespmem:v22+s19+$0x0] =	vst.idx.msk $0xffff, v19  }
0xd0: {  	_ =	sdelay $0x2  }
0xd1: {  	v19 =	vmov s31  }
0xd2: {  	s30 =	sadd.s32 $0x1, s29;
	[tilespmem:v18+s19+$0x0] =	vst.idx.msk $0xffff, v17;
	v30 =	vld [tilespmem:s28+$0xFFFFFF40];
	v6 =	vadd.s32 v3, v6;
	s28 =	sadd.s32 $0x100, s26;
	v21 =	vmov s29;
	v31 =	vand.u32 $0x7F, v19  }
0xd3: {  	v32 =	vmov s30;
	s30 =	sadd.s32 $0x2, s29;
	[tilespmem:v16+s19+$0x0] =	vst.idx.msk $0xffff, v15;
	v33 =	vld [tilespmem:s28+$0xFFFFFFD0];
	v21 =	vand.u32 $0x7C, v21;
	v34 =	vadd.s32 v0, v31  }
0xd4: {  	v22 =	vld [tilespmem:s28+$0xFFFFFF10];
	v19 =	vand.u32 $0x7D, v32;
	v20 =	vmov s30;
	[tilespmem:v14+s19+$0x0] =	vst.idx.msk $0xffff, v11;
	v39 =	vadd.s32 v0, v21  }
0xd5: {  	v35 =	vld [tilespmem:s28+$0xFFFFFF50];
	v36 =	vadd.s32 v0, v19;
	v20 =	vand.u32 $0x7E, v20;
	[tilespmem:v12+s19+$0x0] =	vst.idx.msk $0xffff, v9  }
0xd6: {  	v37 =	vld [tilespmem:s28+$0xFFFFFF90];
	v38 =	vadd.s32 v0, v20;
	[tilespmem:v13+s19+$0x0] =	vst.idx.msk $0xffff, v10  }
0xd7: {  	v41 =	vadd.s32 v2, v7;
	v40 =	vld [tilespmem:s26+$0xFFFFFF70];
	[tilespmem:v6+s19+$0x0] =	vst.idx.msk $0xffff, v30  }
0xd8: {  	v49 =	vadd.s32 v2, v5;
	v48 =	vld [tilespmem:s26+$0xFFFFFFB0];
	[tilespmem:v34+s19+$0x0] =	vst.idx.msk $0xffff, v33  }
0xd9: {  	v43 =	vadd.s32 v1, v31;
	[tilespmem:v39+s19+$0x0] =	vst.idx.msk $0xffff, v22;
	v15 =	vld [tilespmem:s28+$0xFFFFFFE0]  }
0xda: {  	v47 =	vadd.s32 v1, v21;
	[tilespmem:v36+s19+$0x0] =	vst.idx.msk $0xffff, v35;
	v46 =	vld [tilespmem:s28+$0xFFFFFF20]  }
0xdb: {  	v44 =	vadd.s32 v1, v19;
	v11 =	vld [tilespmem:s28+$0xFFFFFF60];
	[tilespmem:v38+s19+$0x0] =	vst.idx.msk $0xffff, v37  }
0xdc: {  	v45 =	vadd.s32 v1, v20;
	[tilespmem:v41+s19+$0x0] =	vst.idx.msk $0xffff, v40;
	v9 =	vld [tilespmem:s28+$0xFFFFFFA0]  }
0xdd: {  	v8 =	vadd.s32 v3, v8;
	v42 =	vld [tilespmem:s26+$0x0];
	[tilespmem:v49+s19+$0x0] =	vst.idx.msk $0xffff, v48  }
0xde: {  	v5 =	vadd.s32 v3, v5;
	v13 =	vld [tilespmem:s26+$0xFFFFFFC0];
	[tilespmem:v43+s19+$0x0] =	vst.idx.msk $0xffff, v15  }
0xdf: {  	v52 =	vadd.s32 v2, v31;
	[tilespmem:v47+s19+$0x0] =	vst.idx.msk $0xffff, v46;
	v15 =	vld [tilespmem:s28+$0xFFFFFFF0]  }
0xe0: {  	v57 =	vadd.s32 v2, v21;
	[tilespmem:v44+s19+$0x0] =	vst.idx.msk $0xffff, v11;
	v56 =	vld [tilespmem:s28+$0xFFFFFF30]  }
0xe1: {  	v53 =	vadd.s32 v2, v19;
	v11 =	vld [tilespmem:s28+$0xFFFFFF70];
	[tilespmem:v45+s19+$0x0] =	vst.idx.msk $0xffff, v9  }
0xe2: {  	v55 =	vadd.s32 v2, v20;
	[tilespmem:v8+s19+$0x0] =	vst.idx.msk $0xffff, v42;
	v54 =	vld [tilespmem:s28+$0xFFFFFFB0]  }
0xe3: {  	v4 =	vadd.s32 v3, v4;
	v58 =	vld [tilespmem:s26+$0xFFFFFF40];
	[tilespmem:v5+s19+$0x0] =	vst.idx.msk $0xffff, v13  }
0xe4: {  	v51 =	vadd.s32 v3, v7;
	v50 =	vld [tilespmem:s26+$0xFFFFFF80];
	[tilespmem:v52+s19+$0x0] =	vst.idx.msk $0xffff, v15  }
0xe5: {  	v60 =	vadd.s32 v3, v31;
	[tilespmem:v57+s19+$0x0] =	vst.idx.msk $0xffff, v56;
	v59 =	vld [tilespmem:s28+$0x0]  }
0xe6: {  	v63 =	vadd.s32 v3, v21;
	[tilespmem:v53+s19+$0x0] =	vst.idx.msk $0xffff, v11;
	v5 =	vld [tilespmem:s28+$0xFFFFFF40]  }
0xe7: {  	v61 =	vadd.s32 v3, v19;
	v11 =	vld [tilespmem:s28+$0xFFFFFF80];
	[tilespmem:v55+s19+$0x0] =	vst.idx.msk $0xffff, v54  }
0xe8: {  	v62 =	vadd.s32 v3, v20;
	[tilespmem:v4+s19+$0x0] =	vst.idx.msk $0xffff, v58;
	v6 =	vld [tilespmem:s28+$0xFFFFFFC0]  }
0xe9: {  	[tilespmem:v51+s19+$0x0] =	vst.idx.msk $0xffff, v50  }
0xea: {  	[tilespmem:v60+s19+$0x0] =	vst.idx.msk $0xffff, v59  }
0xeb: {  	[tilespmem:v63+s19+$0x0] =	vst.idx.msk $0xffff, v5  }
0xec: {  	[tilespmem:v61+s19+$0x0] =	vst.idx.msk $0xffff, v11  }
0xed: {  	s31 =	simm.s32 $0x7B00;
	s26 =	sadd.s32 s24, s7;
	[tilespmem:v62+s19+$0x0] =	vst.idx.msk $0xffff, v6  }
0xee: {  	[hbm4b:s26+s3] =	stream.linear.scatter [tilespmem:s31], [sflag:$0x4], $0x80, $0x38;
	[tilespmem:$0x9D00] =	vst v63  }
0xef: {  	s28 =	sadd.s32 $0x10, s26;
	s31 =	simm.s32 $0x7B88  }
0xf0: {  	[hbm4b:s28+s3] =	stream.linear.scatter [tilespmem:s31], [sflag:$0x4], $0x80, $0x38;
	[tilespmem:$0x9D00] =	vst v63  }
0xf1: {  	s31 =	simm.s32 $0x7C10;
	s28 =	sadd.s32 $0x20, s26  }
0xf2: {  	[hbm4b:s28+s3] =	stream.linear.scatter [tilespmem:s31], [sflag:$0x4], $0x80, $0x38;
	[tilespmem:$0x9D00] =	vst v63  }
0xf3: {  	s31 =	simm.s32 $0x7C98;
	s28 =	sadd.s32 $0x30, s26  }
0xf4: {  	[hbm4b:s28+s3] =	stream.linear.scatter [tilespmem:s31], [sflag:$0x4], $0x80, $0x38;
	[tilespmem:$0x9D00] =	vst v63  }
0xf5: {  	s31 =	simm.s32 $0x7D20;
	s28 =	sadd.s32 $0x40, s26  }
0xf6: {  	[hbm4b:s28+s3] =	stream.linear.scatter [tilespmem:s31], [sflag:$0x4], $0x80, $0x38;
	[tilespmem:$0x9D00] =	vst v63  }
0xf7: {  	s29 =	simm.s32 $0x7EB8;
	s31 =	simm.s32 $0x7DA8;
	s28 =	sadd.s32 $0x50, s26  }
0xf8: {  	[hbm4b:s28+s3] =	stream.linear.scatter [tilespmem:s31], [sflag:$0x4], $0x80, $0x38;
	[tilespmem:$0x9D00] =	vst v63  }
0xf9: {  	s24 =	simm.s32 $0x440;
	s31 =	simm.s32 $0x7E30;
	s28 =	sadd.s32 $0x60, s26  }
0xfa: {  	[hbm4b:s28+s3] =	stream.linear.scatter [tilespmem:s31], [sflag:$0x4], $0x80, $0x38;
	[tilespmem:$0x9D00] =	vst v63  }
0xfb: {  	s30 =	sadd.s32 $0x70, s26;
	s26 =	sadd.s32 $0x1000, s26;
	s28 =	simm.s32 $0x2200  }
.LBB2_9:
0xfc: {  	[hbm4b:s30+s3] =	stream.linear.scatter [tilespmem:s29], [sflag:$0x4], $0x80, $0x38;
	[tilespmem:$0x9D00] =	vst v63  }
0xfd: {  	s29 =	smov.u32 s24;
	s24 =	smov.u32 s28  }
0xfe: {  	s31 =	sadd.s32 $0x1100, s28;
	s24 =	sshra.s32 s24, $0x2;
	s30 =	sadd.s32 $0x7B00, s29  }
0xff: {  	[hbm4b:s26+s3] =	stream.linear.scatter [tilespmem:s30], [sflag:$0x4], $0x80, $0x38;
	[tilespmem:$0x9D00] =	vst v63  }
0x100: {  	p0 =	sne.s32 s28, $0x7700;
	s28 =	sadd.s32 $0x7B88, s29;
	s30 =	sadd.s32 $0x10, s26  }
0x101: {  	[hbm4b:s30+s3] =	stream.linear.scatter [tilespmem:s28], [sflag:$0x4], $0x80, $0x38;
	[tilespmem:$0x9D00] =	vst v63  }
0x102: {  	s28 =	sadd.s32 $0x7C10, s29;
	s30 =	sadd.s32 $0x20, s26  }
0x103: {  	[hbm4b:s30+s3] =	stream.linear.scatter [tilespmem:s28], [sflag:$0x4], $0x80, $0x38;
	[tilespmem:$0x9D00] =	vst v63  }
0x104: {  	s28 =	sadd.s32 $0x7C98, s29;
	s30 =	sadd.s32 $0x30, s26  }
0x105: {  	[hbm4b:s30+s3] =	stream.linear.scatter [tilespmem:s28], [sflag:$0x4], $0x80, $0x38;
	[tilespmem:$0x9D00] =	vst v63  }
0x106: {  	s28 =	sadd.s32 $0x7D20, s29;
	s30 =	sadd.s32 $0x40, s26  }
0x107: {  	[hbm4b:s30+s3] =	stream.linear.scatter [tilespmem:s28], [sflag:$0x4], $0x80, $0x38;
	[tilespmem:$0x9D00] =	vst v63  }
.Ltmp3:
0x108: {  	s28 =	sadd.s32 $0x7DA8, s29;
	s30 =	sadd.s32 $0x50, s26;
	(pc) =	sbr.rel @p0 .LBB2_9-.Ltmp3, $4  }
0x109: {  	[hbm4b:s30+s3] =	stream.linear.scatter [tilespmem:s28], [sflag:$0x4], $0x80, $0x38;
	[tilespmem:$0x9D00] =	vst v63  }
0x10a: {  	s28 =	sadd.s32 $0x7E30, s29;
	s30 =	sadd.s32 $0x60, s26;
	s29 =	sadd.s32 $0x7EB8, s29  }
0x10b: {  	[hbm4b:s30+s3] =	stream.linear.scatter [tilespmem:s28], [sflag:$0x4], $0x80, $0x38;
	[tilespmem:$0x9D00] =	vst v63  }
0x10c: {  	s30 =	sadd.s32 $0x70, s26;
	s26 =	sadd.s32 $0x1000, s26;
	s28 =	smov.u32 s31  }
0x10d: {  	[hbm4b:s30+s3] =	stream.linear.scatter [tilespmem:s29], [sflag:$0x4], $0x80, $0x38;
	[tilespmem:$0x9D00] =	vst v63  }
0x10e: {  	s28 =	sadd.s32 $0x7B00, s24  }
0x10f: {  	[hbm4b:s26+s3] =	stream.linear.scatter [tilespmem:s28], [sflag:$0x4], $0x80, $0x38;
	[tilespmem:$0x9D00] =	vst v63  }
0x110: {  	s30 =	sadd.s32 $0x7B88, s24;
	s31 =	sadd.s32 $0x10, s26  }
0x111: {  	[hbm4b:s31+s3] =	stream.linear.scatter [tilespmem:s30], [sflag:$0x4], $0x80, $0x38;
	[tilespmem:$0x9D00] =	vst v63  }
0x112: {  	s30 =	sadd.s32 $0x7C10, s24;
	s31 =	sadd.s32 $0x20, s26  }
0x113: {  	[hbm4b:s31+s3] =	stream.linear.scatter [tilespmem:s30], [sflag:$0x4], $0x80, $0x38;
	[tilespmem:$0x9D00] =	vst v63  }
0x114: {  	s30 =	sadd.s32 $0x7C98, s24;
	s31 =	sadd.s32 $0x30, s26  }
0x115: {  	[hbm4b:s31+s3] =	stream.linear.scatter [tilespmem:s30], [sflag:$0x4], $0x80, $0x38;
	[tilespmem:$0x9D00] =	vst v63  }
0x116: {  	s30 =	sadd.s32 $0x7D20, s24;
	s31 =	sadd.s32 $0x40, s26  }
0x117: {  	[hbm4b:s31+s3] =	stream.linear.scatter [tilespmem:s30], [sflag:$0x4], $0x80, $0x38;
	[tilespmem:$0x9D00] =	vst v63  }
0x118: {  	s23 =	sadd.s32 $0x1, s23;
	s30 =	sadd.s32 $0x7DA8, s24;
	s31 =	sadd.s32 $0x50, s26  }
0x119: {  	[hbm4b:s31+s3] =	stream.linear.scatter [tilespmem:s30], [sflag:$0x4], $0x80, $0x38;
	[tilespmem:$0x9D00] =	vst v63  }
0x11a: {  	p0 =	sne.s32 s23, $0x18;
	s30 =	sadd.s32 $0x7E30, s24;
	s31 =	sadd.s32 $0x60, s26  }
0x11b: {  	[hbm4b:s31+s3] =	stream.linear.scatter [tilespmem:s30], [sflag:$0x4], $0x80, $0x38;
	[tilespmem:$0x9D00] =	vst v63  }
.Ltmp4:
0x11c: {  	_ = 	snop;
	(pc) =	sbr.rel @p0 .LBB2_2-.Ltmp4, $4  }
0x11d: {  	s29 =	sadd.s32 $0x7EB8, s24;
	s30 =	sadd.s32 $0x70, s26  }
0x11e: {  	[hbm4b:s30+s3] =	stream.linear.scatter [tilespmem:s29], [sflag:$0x4], $0x80, $0x38;
	[tilespmem:$0x9D00] =	vst v63  }
0x11f: {  	s31 =	sadd.s32 $0x180, s25  }
0x120: {  	[tilespmem:s15], [sflag:$0x2] =	stream.indirect.gather [hbm4b:s4+s11], $0x40, s31, s11, $0xb8;
	[tilespmem:$0x9D00] =	vst v63  }
0x121: {  	_ =	swait.ge [sflag:s16], $0x2000  }
0x122: {  	[sflag:s16] =	ssyncset.done $0x0  }
0x123: {  	[sflag:s16] =	ssyncadd.s32 $0xFFFFE000  }
0x124: {  	s25 =	simm.s32 $0x3;
	_ =	swait.ge [sflag:s20], $0x2000  }
0x125: {  	s23 =	simm.s32 $0x0;
	v4 =	vmov s25;
	[sflag:s20] =	ssyncset.done $0x0  }
0x126: {  	s24 =	simm.s32 $0x1980;
	s31 =	simm.s32 $0x1;
	v5 =	vand.u32 $0x7F, v4;
	v4 =	vmov s23;
	[sflag:s20] =	ssyncadd.s32 $0xFFFFE000  }
0x127: {  	v8 =	vadd.s32 v0, v5;
	v6 =	vand.u32 $0x7C, v4;
	v4 =	vmov s31;
	v7 =	vld [tilespmem:s24+$0x40]  }
0x128: {  	v10 =	vadd.s32 v0, v6;
	v11 =	vand.u32 $0x7D, v4;
	v9 =	vld [tilespmem:s24+$0xFFFFFF80]  }
0x129: {  	s25 =	simm.s32 $0x2;
	v12 =	vadd.s32 v0, v11;
	v4 =	vld [tilespmem:s24+$0xFFFFFFC0]  }
0x12a: {  	v13 =	vmov s25  }
0x12b: {  	v13 =	vand.u32 $0x7E, v13  }
0x12c: {  	v15 =	vadd.s32 v0, v13;
	v14 =	vld [tilespmem:s24+$0x0];
	[tilespmem:v8+s17+$0x0] =	vst.idx.msk $0xffff, v7  }
0x12d: {  	v8 =	vadd.s32 v1, v5;
	[tilespmem:v10+s17+$0x0] =	vst.idx.msk $0xffff, v9;
	v7 =	vld [tilespmem:s24+$0x50]  }
0x12e: {  	v10 =	vadd.s32 v1, v6;
	[tilespmem:v12+s17+$0x0] =	vst.idx.msk $0xffff, v4;
	v9 =	vld [tilespmem:s24+$0xFFFFFF90]  }
0x12f: {  	v12 =	vadd.s32 v1, v11;
	v4 =	vld [tilespmem:s24+$0xFFFFFFD0];
	_ =	sdelay $0x1  }
0x130: {  	[tilespmem:v15+s17+$0x0] =	vst.idx.msk $0xffff, v14  }
0x131: {  	v16 =	vadd.s32 v1, v13;
	v15 =	vld [tilespmem:s24+$0x10];
	[tilespmem:v8+s17+$0x0] =	vst.idx.msk $0xffff, v7  }
0x132: {  	s26 =	simm.s32 $0x7;
	v14 =	vadd.s32 v2, v5;
	[tilespmem:v10+s17+$0x0] =	vst.idx.msk $0xffff, v9;
	v7 =	vld [tilespmem:s24+$0x60]  }
0x133: {  	v10 =	vadd.s32 v2, v6;
	v8 =	vmov s26;
	[tilespmem:v12+s17+$0x0] =	vst.idx.msk $0xffff, v4;
	v9 =	vld [tilespmem:s24+$0xFFFFFFA0]  }
0x134: {  	s23 =	simm.s32 $0x1A80;
	v17 =	vadd.s32 v2, v11;
	v8 =	vand.u32 $0x7F, v8;
	v12 =	vld [tilespmem:s24+$0xFFFFFFE0]  }
0x135: {  	s29 =	simm.s32 $0x4;
	v18 =	vld [tilespmem:s23+$0x40];
	v19 =	vadd.s32 v0, v8  }
0x136: {  	s30 =	simm.s32 $0x5;
	v4 =	vmov s29;
	[tilespmem:v16+s17+$0x0] =	vst.idx.msk $0xffff, v15  }
0x137: {  	v22 =	vmov s30;
	v4 =	vand.u32 $0x7C, v4;
	[tilespmem:v14+s17+$0x0] =	vst.idx.msk $0xffff, v7  }
0x138: {  	s31 =	simm.s32 $0x6;
	v20 =	vld [tilespmem:s23+$0xFFFFFF80];
	v21 =	vadd.s32 v0, v4;
	v7 =	vand.u32 $0x7D, v22;
	[tilespmem:v10+s17+$0x0] =	vst.idx.msk $0xffff, v9  }
0x139: {  	v14 =	vmov s31;
	v9 =	vld [tilespmem:s23+$0xFFFFFFC0];
	[tilespmem:v17+s17+$0x0] =	vst.idx.msk $0xffff, v12;
	v10 =	vadd.s32 v0, v7  }
0x13a: {  	v16 =	vadd.s32 v3, v5;
	v12 =	vld [tilespmem:s24+$0x20];
	v5 =	vand.u32 $0x7E, v14;
	[tilespmem:v19+s17+$0x0] =	vst.idx.msk $0xffff, v18;
	v18 =	vadd.s32 v2, v13  }
0x13b: {  	v14 =	vld [tilespmem:s23+$0x0];
	v63 =	vadd.s32 v0, v5  }
0x13c: {  	v15 =	vld [tilespmem:s24+$0x70]  }
0x13d: {  	[tilespmem:v21+s17+$0x0] =	vst.idx.msk $0xffff, v20;
	v20 =	vadd.s32 v1, v8;
	v19 =	vld [tilespmem:s23+$0x50]  }
0x13e: {  	v23 =	vadd.s32 v1, v4;
	v21 =	vld [tilespmem:s23+$0xFFFFFF90];
	[tilespmem:v10+s17+$0x0] =	vst.idx.msk $0xffff, v9  }
0x13f: {  	v25 =	vadd.s32 v3, v11;
	v24 =	vld [tilespmem:s24+$0xFFFFFFF0];
	[tilespmem:v18+s17+$0x0] =	vst.idx.msk $0xffff, v12  }
0x140: {  	v18 =	vadd.s32 v1, v7;
	v17 =	vld [tilespmem:s23+$0xFFFFFFD0];
	[tilespmem:v63+s17+$0x0] =	vst.idx.msk $0xffff, v14  }
0x141: {  	[tilespmem:v16+s17+$0x0] =	vst.idx.msk $0xffff, v15;
	v16 =	vadd.s32 v1, v5;
	v15 =	vld [tilespmem:s23+$0x10]  }
0x142: {  	[tilespmem:v20+s17+$0x0] =	vst.idx.msk $0xffff, v19;
	v11 =	vld [tilespmem:s24+$0x30];
	v14 =	vadd.s32 v3, v13  }
0x143: {  	v12 =	vadd.s32 v2, v8;
	[tilespmem:v23+s17+$0x0] =	vst.idx.msk $0xffff, v21;
	v9 =	vld [tilespmem:s23+$0x60]  }
0x144: {  	s28 =	simm.s32 $0xB;
	s25 =	simm.s32 $0x8;
	s26 =	simm.s32 $0xC;
	[tilespmem:v25+s17+$0x0] =	vst.idx.msk $0xffff, v24;
	v13 =	vadd.s32 v2, v4;
	v10 =	vld [tilespmem:s23+$0xFFFFFFA0]  }
.LBB2_12:
0x145: {  	p0 =	slt.u32 s26, $0x7C;
	v19 =	vmov s28;
	[tilespmem:v18+s17+$0x0] =	vst.idx.msk $0xffff, v17;
	v17 =	vld [tilespmem:s24+$0xFFFFFFB0];
	v18 =	vadd.s32 v3, v6;
	v6 =	vmov v4;
	s24 =	smov.u32 s23  }
0x146: {  	v4 =	vmov s25;
	v21 =	vadd.s32 v2, v7;
	s23 =	sadd.s32 $0x100, s23;
	v19 =	vand.u32 $0x7F, v19;
	v20 =	vld [tilespmem:s24+$0xFFFFFFE0];
	[tilespmem:v16+s17+$0x0] =	vst.idx.msk $0xffff, v15  }
0x147: {  	s28 =	sadd.s32 $0x1, s25;
	v4 =	vand.u32 $0x7C, v4;
	v15 =	vld [tilespmem:s23+$0x40];
	v16 =	vadd.s32 v0, v19;
	[tilespmem:v14+s17+$0x0] =	vst.idx.msk $0xffff, v11  }
0x148: {  	v22 =	vmov s28;
	s28 =	sadd.s32 $0x2, s25;
	s25 =	smov.u32 s26;
	v14 =	vadd.s32 v0, v4;
	v11 =	vld [tilespmem:s23+$0xFFFFFF80];
	[tilespmem:v12+s17+$0x0] =	vst.idx.msk $0xffff, v9  }
0x149: {  	v9 =	vand.u32 $0x7D, v22;
	v12 =	vmov s28;
	[tilespmem:v13+s17+$0x0] =	vst.idx.msk $0xffff, v10;
	v10 =	vld [tilespmem:s24+$0x70];
	v13 =	vadd.s32 v3, v8;
	v8 =	vmovc v19  }
0x14a: {  	v22 =	vadd.s32 v0, v9;
	v12 =	vand.u32 $0x7E, v12;
	v19 =	vld [tilespmem:s23+$0xFFFFFFC0];
	[tilespmem:v18+s17+$0x0] =	vst.idx.msk $0xffff, v17  }
0x14b: {  	v24 =	vadd.s32 v0, v12;
	v23 =	vld [tilespmem:s23+$0x0];
	[tilespmem:v21+s17+$0x0] =	vst.idx.msk $0xffff, v20  }
0x14c: {  	v21 =	vadd.s32 v2, v5;
	[tilespmem:v16+s17+$0x0] =	vst.idx.msk $0xffff, v15;
	v20 =	vld [tilespmem:s24+$0x20]  }
0x14d: {  	[tilespmem:v14+s17+$0x0] =	vst.idx.msk $0xffff, v11;
	v11 =	vld [tilespmem:s23+$0x50];
	v14 =	vadd.s32 v1, v8  }
0x14e: {  	v26 =	vadd.s32 v1, v4;
	v25 =	vld [tilespmem:s23+$0xFFFFFF90];
	[tilespmem:v13+s17+$0x0] =	vst.idx.msk $0xffff, v10  }
0x14f: {  	[tilespmem:v22+s17+$0x0] =	vst.idx.msk $0xffff, v19;
	v19 =	vld [tilespmem:s24+$0xFFFFFFF0];
	v22 =	vadd.s32 v3, v7;
	v7 =	vmov v9  }
.Ltmp5:
0x150: {  	v17 =	vld [tilespmem:s23+$0xFFFFFFD0];
	v18 =	vadd.s32 v1, v7;
	[tilespmem:v24+s17+$0x0] =	vst.idx.msk $0xffff, v23;
	(pc) =	sbr.rel @p0 .LBB2_12-.Ltmp5, $4  }
0x151: {  	v16 =	vadd.s32 v1, v12;
	v15 =	vld [tilespmem:s23+$0x10];
	[tilespmem:v21+s17+$0x0] =	vst.idx.msk $0xffff, v20  }
0x152: {  	[tilespmem:v14+s17+$0x0] =	vst.idx.msk $0xffff, v11;
	v11 =	vld [tilespmem:s24+$0x30];
	v14 =	vadd.s32 v3, v5;
	v5 =	vmov v12  }
0x153: {  	v12 =	vadd.s32 v2, v8;
	[tilespmem:v26+s17+$0x0] =	vst.idx.msk $0xffff, v25;
	v9 =	vld [tilespmem:s23+$0x60]  }
0x154: {  	s26 =	sadd.s32 $0x4, s26;
	s28 =	sadd.s32 $0x3, s25;
	v13 =	vadd.s32 v2, v4;
	v10 =	vld [tilespmem:s23+$0xFFFFFFA0];
	[tilespmem:v22+s17+$0x0] =	vst.idx.msk $0xffff, v19  }
0x155: {  	_ =	sdelay $0x2  }
0x156: {  	v19 =	vmov s28  }
0x157: {  	s26 =	sadd.s32 $0x1, s25;
	[tilespmem:v18+s17+$0x0] =	vst.idx.msk $0xffff, v17;
	v30 =	vld [tilespmem:s24+$0xFFFFFFB0];
	v6 =	vadd.s32 v3, v6;
	s29 =	sadd.s32 $0x100, s23;
	v21 =	vmov s25;
	v31 =	vand.u32 $0x7F, v19  }
0x158: {  	s30 =	sadd.s32 $0x2, s25;
	v32 =	vmov s26;
	[tilespmem:v16+s17+$0x0] =	vst.idx.msk $0xffff, v15;
	v33 =	vld [tilespmem:s29+$0x40];
	v21 =	vand.u32 $0x7C, v21;
	v34 =	vadd.s32 v0, v31  }
0x159: {  	v20 =	vmov s30;
	v22 =	vld [tilespmem:s29+$0xFFFFFF80];
	v19 =	vand.u32 $0x7D, v32;
	[tilespmem:v14+s17+$0x0] =	vst.idx.msk $0xffff, v11;
	v39 =	vadd.s32 v0, v21  }
0x15a: {  	v35 =	vld [tilespmem:s29+$0xFFFFFFC0];
	v20 =	vand.u32 $0x7E, v20;
	v36 =	vadd.s32 v0, v19;
	[tilespmem:v12+s17+$0x0] =	vst.idx.msk $0xffff, v9  }
0x15b: {  	v37 =	vld [tilespmem:s29+$0x0];
	v38 =	vadd.s32 v0, v20;
	[tilespmem:v13+s17+$0x0] =	vst.idx.msk $0xffff, v10  }
0x15c: {  	v41 =	vadd.s32 v2, v7;
	v40 =	vld [tilespmem:s23+$0xFFFFFFE0];
	[tilespmem:v6+s17+$0x0] =	vst.idx.msk $0xffff, v30  }
0x15d: {  	v49 =	vadd.s32 v2, v5;
	v48 =	vld [tilespmem:s23+$0x20];
	[tilespmem:v34+s17+$0x0] =	vst.idx.msk $0xffff, v33  }
0x15e: {  	v43 =	vadd.s32 v1, v31;
	[tilespmem:v39+s17+$0x0] =	vst.idx.msk $0xffff, v22;
	v15 =	vld [tilespmem:s29+$0x50]  }
0x15f: {  	v47 =	vadd.s32 v1, v21;
	[tilespmem:v36+s17+$0x0] =	vst.idx.msk $0xffff, v35;
	v46 =	vld [tilespmem:s29+$0xFFFFFF90]  }
0x160: {  	v44 =	vadd.s32 v1, v19;
	[tilespmem:v38+s17+$0x0] =	vst.idx.msk $0xffff, v37;
	v11 =	vld [tilespmem:s29+$0xFFFFFFD0]  }
0x161: {  	v45 =	vadd.s32 v1, v20;
	[tilespmem:v41+s17+$0x0] =	vst.idx.msk $0xffff, v40;
	v9 =	vld [tilespmem:s29+$0x10]  }
0x162: {  	v8 =	vadd.s32 v3, v8;
	v42 =	vld [tilespmem:s23+$0x70];
	[tilespmem:v49+s17+$0x0] =	vst.idx.msk $0xffff, v48  }
0x163: {  	v5 =	vadd.s32 v3, v5;
	v13 =	vld [tilespmem:s23+$0x30];
	[tilespmem:v43+s17+$0x0] =	vst.idx.msk $0xffff, v15  }
0x164: {  	v52 =	vadd.s32 v2, v31;
	[tilespmem:v47+s17+$0x0] =	vst.idx.msk $0xffff, v46;
	v15 =	vld [tilespmem:s29+$0x60]  }
0x165: {  	v57 =	vadd.s32 v2, v21;
	[tilespmem:v44+s17+$0x0] =	vst.idx.msk $0xffff, v11;
	v56 =	vld [tilespmem:s29+$0xFFFFFFA0]  }
0x166: {  	v53 =	vadd.s32 v2, v19;
	[tilespmem:v45+s17+$0x0] =	vst.idx.msk $0xffff, v9;
	v11 =	vld [tilespmem:s29+$0xFFFFFFE0]  }
0x167: {  	v55 =	vadd.s32 v2, v20;
	[tilespmem:v8+s17+$0x0] =	vst.idx.msk $0xffff, v42;
	v54 =	vld [tilespmem:s29+$0x20]  }
0x168: {  	v4 =	vadd.s32 v3, v4;
	v58 =	vld [tilespmem:s23+$0xFFFFFFB0];
	[tilespmem:v5+s17+$0x0] =	vst.idx.msk $0xffff, v13  }
0x169: {  	v51 =	vadd.s32 v3, v7;
	v50 =	vld [tilespmem:s23+$0xFFFFFFF0];
	[tilespmem:v52+s17+$0x0] =	vst.idx.msk $0xffff, v15  }
0x16a: {  	v60 =	vadd.s32 v3, v31;
	[tilespmem:v57+s17+$0x0] =	vst.idx.msk $0xffff, v56;
	v59 =	vld [tilespmem:s29+$0x70]  }
0x16b: {  	v63 =	vadd.s32 v3, v21;
	[tilespmem:v53+s17+$0x0] =	vst.idx.msk $0xffff, v11;
	v5 =	vld [tilespmem:s29+$0xFFFFFFB0]  }
0x16c: {  	v61 =	vadd.s32 v3, v19;
	[tilespmem:v55+s17+$0x0] =	vst.idx.msk $0xffff, v54;
	v11 =	vld [tilespmem:s29+$0xFFFFFFF0]  }
0x16d: {  	v62 =	vadd.s32 v3, v20;
	[tilespmem:v4+s17+$0x0] =	vst.idx.msk $0xffff, v58;
	v6 =	vld [tilespmem:s29+$0x30]  }
0x16e: {  	[tilespmem:v51+s17+$0x0] =	vst.idx.msk $0xffff, v50  }
0x16f: {  	[tilespmem:v60+s17+$0x0] =	vst.idx.msk $0xffff, v59  }
0x170: {  	[tilespmem:v63+s17+$0x0] =	vst.idx.msk $0xffff, v5  }
0x171: {  	[tilespmem:v61+s17+$0x0] =	vst.idx.msk $0xffff, v11  }
0x172: {  	s31 =	simm.s32 $0x5900;
	[tilespmem:v62+s17+$0x0] =	vst.idx.msk $0xffff, v6  }
0x173: {  	[hbm4b:s8+s3] =	stream.linear.scatter [tilespmem:s31], [sflag:$0x3], $0x80, $0x38;
	[tilespmem:$0x9D00] =	vst v63  }
0x174: {  	s24 =	simm.s32 $0x5988;
	s25 =	sadd.s32 $0x10, s8  }
0x175: {  	[hbm4b:s25+s3] =	stream.linear.scatter [tilespmem:s24], [sflag:$0x3], $0x80, $0x38;
	[tilespmem:$0x9D00] =	vst v63  }
0x176: {  	s28 =	sadd.s32 $0x70, s8;
	s26 =	simm.s32 $0x5A10;
	s29 =	sadd.s32 $0x20, s8  }
0x177: {  	[hbm4b:s29+s3] =	stream.linear.scatter [tilespmem:s26], [sflag:$0x3], $0x80, $0x38;
	[tilespmem:$0x9D00] =	vst v63  }
0x178: {  	s30 =	simm.s32 $0x5A98;
	s23 =	simm.s32 $0x440;
	s31 =	sadd.s32 $0x30, s8  }
0x179: {  	[hbm4b:s31+s3] =	stream.linear.scatter [tilespmem:s30], [sflag:$0x3], $0x80, $0x38;
	[tilespmem:$0x9D00] =	vst v63  }
0x17a: {  	s24 =	simm.s32 $0x5B20;
	s25 =	sadd.s32 $0x40, s8;
	s26 =	simm.s32 $0x5BA8  }
0x17b: {  	[hbm4b:s25+s3] =	stream.linear.scatter [tilespmem:s24], [sflag:$0x3], $0x80, $0x38;
	[tilespmem:$0x9D00] =	vst v63  }
0x17c: {  	s29 =	sadd.s32 $0x50, s8;
	s30 =	simm.s32 $0x5C30;
	s31 =	sadd.s32 $0x60, s8  }
0x17d: {  	[hbm4b:s29+s3] =	stream.linear.scatter [tilespmem:s26], [sflag:$0x3], $0x80, $0x38;
	[tilespmem:$0x9D00] =	vst v63  }
0x17e: {  	s25 =	simm.s32 $0x2200;
	s24 =	sadd.s32 $0x1000, s8;
	s26 =	simm.s32 $0x5CB8  }
0x17f: {  	[hbm4b:s31+s3] =	stream.linear.scatter [tilespmem:s30], [sflag:$0x3], $0x80, $0x38;
	[tilespmem:$0x9D00] =	vst v63  }
.LBB2_14:
0x180: {  	[hbm4b:s28+s3] =	stream.linear.scatter [tilespmem:s26], [sflag:$0x3], $0x80, $0x38;
	[tilespmem:$0x9D00] =	vst v63  }
0x181: {  	s26 =	smov.u32 s23;
	s23 =	smov.u32 s25  }
0x182: {  	s29 =	sadd.s32 $0x1100, s25;
	s23 =	sshra.s32 s23, $0x2;
	s28 =	sadd.s32 $0x5900, s26  }
0x183: {  	[hbm4b:s24+s3] =	stream.linear.scatter [tilespmem:s28], [sflag:$0x3], $0x80, $0x38;
	[tilespmem:$0x9D00] =	vst v63  }
0x184: {  	p0 =	sne.s32 s25, $0x7700;
	s25 =	sadd.s32 $0x5988, s26;
	s28 =	sadd.s32 $0x10, s24  }
0x185: {  	[hbm4b:s28+s3] =	stream.linear.scatter [tilespmem:s25], [sflag:$0x3], $0x80, $0x38;
	[tilespmem:$0x9D00] =	vst v63  }
0x186: {  	s25 =	sadd.s32 $0x5A10, s26;
	s28 =	sadd.s32 $0x20, s24  }
0x187: {  	[hbm4b:s28+s3] =	stream.linear.scatter [tilespmem:s25], [sflag:$0x3], $0x80, $0x38;
	[tilespmem:$0x9D00] =	vst v63  }
0x188: {  	s25 =	sadd.s32 $0x5A98, s26;
	s28 =	sadd.s32 $0x30, s24  }
0x189: {  	[hbm4b:s28+s3] =	stream.linear.scatter [tilespmem:s25], [sflag:$0x3], $0x80, $0x38;
	[tilespmem:$0x9D00] =	vst v63  }
0x18a: {  	s25 =	sadd.s32 $0x5B20, s26;
	s28 =	sadd.s32 $0x40, s24  }
0x18b: {  	[hbm4b:s28+s3] =	stream.linear.scatter [tilespmem:s25], [sflag:$0x3], $0x80, $0x38;
	[tilespmem:$0x9D00] =	vst v63  }
.Ltmp6:
0x18c: {  	s25 =	sadd.s32 $0x5BA8, s26;
	s28 =	sadd.s32 $0x50, s24;
	(pc) =	sbr.rel @p0 .LBB2_14-.Ltmp6, $4  }
0x18d: {  	[hbm4b:s28+s3] =	stream.linear.scatter [tilespmem:s25], [sflag:$0x3], $0x80, $0x38;
	[tilespmem:$0x9D00] =	vst v63  }
0x18e: {  	s25 =	sadd.s32 $0x5C30, s26;
	s28 =	sadd.s32 $0x60, s24;
	s26 =	sadd.s32 $0x5CB8, s26  }
0x18f: {  	[hbm4b:s28+s3] =	stream.linear.scatter [tilespmem:s25], [sflag:$0x3], $0x80, $0x38;
	[tilespmem:$0x9D00] =	vst v63  }
0x190: {  	s28 =	sadd.s32 $0x70, s24;
	s24 =	sadd.s32 $0x1000, s24;
	s25 =	smov.u32 s29  }
0x191: {  	[hbm4b:s28+s3] =	stream.linear.scatter [tilespmem:s26], [sflag:$0x3], $0x80, $0x38;
	[tilespmem:$0x9D00] =	vst v63  }
0x192: {  	s25 =	sadd.s32 $0x5900, s23  }
0x193: {  	[hbm4b:s24+s3] =	stream.linear.scatter [tilespmem:s25], [sflag:$0x3], $0x80, $0x38;
	[tilespmem:$0x9D00] =	vst v63  }
0x194: {  	s26 =	sadd.s32 $0x5988, s23;
	s29 =	sadd.s32 $0x10, s24  }
0x195: {  	[hbm4b:s29+s3] =	stream.linear.scatter [tilespmem:s26], [sflag:$0x3], $0x80, $0x38;
	[tilespmem:$0x9D00] =	vst v63  }
0x196: {  	s30 =	sadd.s32 $0x5A10, s23;
	s31 =	sadd.s32 $0x20, s24  }
0x197: {  	[hbm4b:s31+s3] =	stream.linear.scatter [tilespmem:s30], [sflag:$0x3], $0x80, $0x38;
	[tilespmem:$0x9D00] =	vst v63  }
0x198: {  	s26 =	sadd.s32 $0x5A98, s23;
	s29 =	sadd.s32 $0x30, s24  }
0x199: {  	[hbm4b:s29+s3] =	stream.linear.scatter [tilespmem:s26], [sflag:$0x3], $0x80, $0x38;
	[tilespmem:$0x9D00] =	vst v63  }
0x19a: {  	s30 =	sadd.s32 $0x5B20, s23;
	s31 =	sadd.s32 $0x40, s24  }
0x19b: {  	[hbm4b:s31+s3] =	stream.linear.scatter [tilespmem:s30], [sflag:$0x3], $0x80, $0x38;
	[tilespmem:$0x9D00] =	vst v63  }
0x19c: {  	s26 =	sadd.s32 $0x5BA8, s23;
	s29 =	sadd.s32 $0x50, s24  }
0x19d: {  	[hbm4b:s29+s3] =	stream.linear.scatter [tilespmem:s26], [sflag:$0x3], $0x80, $0x38;
	[tilespmem:$0x9D00] =	vst v63  }
0x19e: {  	s30 =	sadd.s32 $0x5C30, s23;
	s31 =	sadd.s32 $0x60, s24  }
0x19f: {  	[hbm4b:s31+s3] =	stream.linear.scatter [tilespmem:s30], [sflag:$0x3], $0x80, $0x38;
	[tilespmem:$0x9D00] =	vst v63  }
0x1a0: {  	s25 =	sadd.s32 $0x5CB8, s23;
	s26 =	sadd.s32 $0x70, s24  }
0x1a1: {  	[hbm4b:s26+s3] =	stream.linear.scatter [tilespmem:s25], [sflag:$0x3], $0x80, $0x38;
	[tilespmem:$0x9D00] =	vst v63  }
0x1a2: {  	_ =	swait.ge [sflag:s18], $0x2000  }
0x1a3: {  	[sflag:s18] =	ssyncset.done $0x0  }
0x1a4: {  	[sflag:s18] =	ssyncadd.s32 $0xFFFFE000  }
0x1a5: {  	s30 =	simm.s32 $0x3;
	_ =	swait.ge [sflag:s21], $0x2000  }
0x1a6: {  	s29 =	simm.s32 $0x0;
	v4 =	vmov s30;
	[sflag:s21] =	ssyncset.done $0x0  }
0x1a7: {  	s24 =	simm.s32 $0x39F0;
	s31 =	simm.s32 $0x1;
	v5 =	vand.u32 $0x7F, v4;
	v4 =	vmov s29;
	[sflag:s21] =	ssyncadd.s32 $0xFFFFE000  }
0x1a8: {  	v8 =	vadd.s32 v0, v5;
	v6 =	vand.u32 $0x7C, v4;
	v4 =	vmov s31;
	v7 =	vld [tilespmem:s24+$0xFFFFFFD0]  }
0x1a9: {  	v10 =	vadd.s32 v0, v6;
	v11 =	vand.u32 $0x7D, v4;
	v9 =	vld [tilespmem:s24+$0xFFFFFF10]  }
0x1aa: {  	s25 =	simm.s32 $0x2;
	v12 =	vadd.s32 v0, v11;
	v4 =	vld [tilespmem:s24+$0xFFFFFF50]  }
0x1ab: {  	v13 =	vmov s25  }
0x1ac: {  	v13 =	vand.u32 $0x7E, v13  }
0x1ad: {  	v15 =	vadd.s32 v0, v13;
	v14 =	vld [tilespmem:s24+$0xFFFFFF90];
	[tilespmem:v8+s19+$0x0] =	vst.idx.msk $0xffff, v7  }
0x1ae: {  	v8 =	vadd.s32 v1, v5;
	[tilespmem:v10+s19+$0x0] =	vst.idx.msk $0xffff, v9;
	v7 =	vld [tilespmem:s24+$0xFFFFFFE0]  }
0x1af: {  	v10 =	vadd.s32 v1, v6;
	[tilespmem:v12+s19+$0x0] =	vst.idx.msk $0xffff, v4;
	v9 =	vld [tilespmem:s24+$0xFFFFFF20]  }
0x1b0: {  	v12 =	vadd.s32 v1, v11;
	v4 =	vld [tilespmem:s24+$0xFFFFFF60];
	_ =	sdelay $0x1  }
0x1b1: {  	[tilespmem:v15+s19+$0x0] =	vst.idx.msk $0xffff, v14  }
0x1b2: {  	v16 =	vadd.s32 v1, v13;
	v15 =	vld [tilespmem:s24+$0xFFFFFFA0];
	[tilespmem:v8+s19+$0x0] =	vst.idx.msk $0xffff, v7  }
0x1b3: {  	s26 =	simm.s32 $0x7;
	v14 =	vadd.s32 v2, v5;
	[tilespmem:v10+s19+$0x0] =	vst.idx.msk $0xffff, v9;
	v7 =	vld [tilespmem:s24+$0xFFFFFFF0]  }
0x1b4: {  	v10 =	vadd.s32 v2, v6;
	v8 =	vmov s26;
	[tilespmem:v12+s19+$0x0] =	vst.idx.msk $0xffff, v4;
	v9 =	vld [tilespmem:s24+$0xFFFFFF30]  }
0x1b5: {  	s23 =	simm.s32 $0x3AF0;
	v17 =	vadd.s32 v2, v11;
	v8 =	vand.u32 $0x7F, v8;
	v12 =	vld [tilespmem:s24+$0xFFFFFF70]  }
0x1b6: {  	s29 =	simm.s32 $0x4;
	v18 =	vld [tilespmem:s23+$0xFFFFFFD0];
	v19 =	vadd.s32 v0, v8  }
0x1b7: {  	s30 =	simm.s32 $0x5;
	v4 =	vmov s29;
	[tilespmem:v16+s19+$0x0] =	vst.idx.msk $0xffff, v15  }
0x1b8: {  	v22 =	vmov s30;
	v4 =	vand.u32 $0x7C, v4;
	[tilespmem:v14+s19+$0x0] =	vst.idx.msk $0xffff, v7  }
0x1b9: {  	s31 =	simm.s32 $0x6;
	v20 =	vld [tilespmem:s23+$0xFFFFFF10];
	v21 =	vadd.s32 v0, v4;
	v7 =	vand.u32 $0x7D, v22;
	[tilespmem:v10+s19+$0x0] =	vst.idx.msk $0xffff, v9  }
0x1ba: {  	v14 =	vmov s31;
	v9 =	vld [tilespmem:s23+$0xFFFFFF50];
	[tilespmem:v17+s19+$0x0] =	vst.idx.msk $0xffff, v12;
	v10 =	vadd.s32 v0, v7  }
0x1bb: {  	v16 =	vadd.s32 v3, v5;
	v12 =	vld [tilespmem:s24+$0xFFFFFFB0];
	v5 =	vand.u32 $0x7E, v14;
	[tilespmem:v19+s19+$0x0] =	vst.idx.msk $0xffff, v18;
	v18 =	vadd.s32 v2, v13  }
0x1bc: {  	v14 =	vld [tilespmem:s23+$0xFFFFFF90];
	v63 =	vadd.s32 v0, v5  }
0x1bd: {  	v15 =	vld [tilespmem:s24+$0x0]  }
0x1be: {  	[tilespmem:v21+s19+$0x0] =	vst.idx.msk $0xffff, v20;
	v20 =	vadd.s32 v1, v8;
	v19 =	vld [tilespmem:s23+$0xFFFFFFE0]  }
0x1bf: {  	v23 =	vadd.s32 v1, v4;
	v21 =	vld [tilespmem:s23+$0xFFFFFF20];
	[tilespmem:v10+s19+$0x0] =	vst.idx.msk $0xffff, v9  }
0x1c0: {  	v25 =	vadd.s32 v3, v11;
	v24 =	vld [tilespmem:s24+$0xFFFFFF80];
	[tilespmem:v18+s19+$0x0] =	vst.idx.msk $0xffff, v12  }
0x1c1: {  	v18 =	vadd.s32 v1, v7;
	v17 =	vld [tilespmem:s23+$0xFFFFFF60];
	[tilespmem:v63+s19+$0x0] =	vst.idx.msk $0xffff, v14  }
0x1c2: {  	[tilespmem:v16+s19+$0x0] =	vst.idx.msk $0xffff, v15;
	v16 =	vadd.s32 v1, v5;
	v15 =	vld [tilespmem:s23+$0xFFFFFFA0]  }
0x1c3: {  	[tilespmem:v20+s19+$0x0] =	vst.idx.msk $0xffff, v19;
	v11 =	vld [tilespmem:s24+$0xFFFFFFC0];
	v14 =	vadd.s32 v3, v13  }
0x1c4: {  	v12 =	vadd.s32 v2, v8;
	[tilespmem:v23+s19+$0x0] =	vst.idx.msk $0xffff, v21;
	v9 =	vld [tilespmem:s23+$0xFFFFFFF0]  }
0x1c5: {  	s28 =	simm.s32 $0xB;
	s25 =	simm.s32 $0x8;
	s26 =	simm.s32 $0xC;
	[tilespmem:v25+s19+$0x0] =	vst.idx.msk $0xffff, v24;
	v13 =	vadd.s32 v2, v4;
	v10 =	vld [tilespmem:s23+$0xFFFFFF30]  }
.LBB2_16:
0x1c6: {  	p0 =	slt.u32 s26, $0x7C;
	v19 =	vmov s28;
	[tilespmem:v18+s19+$0x0] =	vst.idx.msk $0xffff, v17;
	v17 =	vld [tilespmem:s24+$0xFFFFFF40];
	v18 =	vadd.s32 v3, v6;
	v6 =	vmov v4;
	s24 =	smov.u32 s23  }
0x1c7: {  	v4 =	vmov s25;
	v21 =	vadd.s32 v2, v7;
	s23 =	sadd.s32 $0x100, s23;
	v19 =	vand.u32 $0x7F, v19;
	v20 =	vld [tilespmem:s24+$0xFFFFFF70];
	[tilespmem:v16+s19+$0x0] =	vst.idx.msk $0xffff, v15  }
0x1c8: {  	s28 =	sadd.s32 $0x1, s25;
	v4 =	vand.u32 $0x7C, v4;
	v15 =	vld [tilespmem:s23+$0xFFFFFFD0];
	v16 =	vadd.s32 v0, v19;
	[tilespmem:v14+s19+$0x0] =	vst.idx.msk $0xffff, v11  }
0x1c9: {  	v22 =	vmov s28;
	s28 =	sadd.s32 $0x2, s25;
	s25 =	smov.u32 s26;
	v14 =	vadd.s32 v0, v4;
	v11 =	vld [tilespmem:s23+$0xFFFFFF10];
	[tilespmem:v12+s19+$0x0] =	vst.idx.msk $0xffff, v9  }
0x1ca: {  	v9 =	vand.u32 $0x7D, v22;
	v12 =	vmov s28;
	[tilespmem:v13+s19+$0x0] =	vst.idx.msk $0xffff, v10;
	v10 =	vld [tilespmem:s24+$0x0];
	v13 =	vadd.s32 v3, v8;
	v8 =	vmovc v19  }
0x1cb: {  	v22 =	vadd.s32 v0, v9;
	v12 =	vand.u32 $0x7E, v12;
	v19 =	vld [tilespmem:s23+$0xFFFFFF50];
	[tilespmem:v18+s19+$0x0] =	vst.idx.msk $0xffff, v17  }
0x1cc: {  	v24 =	vadd.s32 v0, v12;
	v23 =	vld [tilespmem:s23+$0xFFFFFF90];
	[tilespmem:v21+s19+$0x0] =	vst.idx.msk $0xffff, v20  }
0x1cd: {  	v21 =	vadd.s32 v2, v5;
	[tilespmem:v16+s19+$0x0] =	vst.idx.msk $0xffff, v15;
	v20 =	vld [tilespmem:s24+$0xFFFFFFB0]  }
0x1ce: {  	[tilespmem:v14+s19+$0x0] =	vst.idx.msk $0xffff, v11;
	v11 =	vld [tilespmem:s23+$0xFFFFFFE0];
	v14 =	vadd.s32 v1, v8  }
0x1cf: {  	v26 =	vadd.s32 v1, v4;
	v25 =	vld [tilespmem:s23+$0xFFFFFF20];
	[tilespmem:v13+s19+$0x0] =	vst.idx.msk $0xffff, v10  }
0x1d0: {  	[tilespmem:v22+s19+$0x0] =	vst.idx.msk $0xffff, v19;
	v19 =	vld [tilespmem:s24+$0xFFFFFF80];
	v22 =	vadd.s32 v3, v7;
	v7 =	vmov v9  }
.Ltmp7:
0x1d1: {  	v17 =	vld [tilespmem:s23+$0xFFFFFF60];
	v18 =	vadd.s32 v1, v7;
	[tilespmem:v24+s19+$0x0] =	vst.idx.msk $0xffff, v23;
	(pc) =	sbr.rel @p0 .LBB2_16-.Ltmp7, $4  }
0x1d2: {  	v16 =	vadd.s32 v1, v12;
	v15 =	vld [tilespmem:s23+$0xFFFFFFA0];
	[tilespmem:v21+s19+$0x0] =	vst.idx.msk $0xffff, v20  }
0x1d3: {  	[tilespmem:v14+s19+$0x0] =	vst.idx.msk $0xffff, v11;
	v11 =	vld [tilespmem:s24+$0xFFFFFFC0];
	v14 =	vadd.s32 v3, v5;
	v5 =	vmov v12  }
0x1d4: {  	v12 =	vadd.s32 v2, v8;
	[tilespmem:v26+s19+$0x0] =	vst.idx.msk $0xffff, v25;
	v9 =	vld [tilespmem:s23+$0xFFFFFFF0]  }
0x1d5: {  	s26 =	sadd.s32 $0x4, s26;
	s28 =	sadd.s32 $0x3, s25;
	v13 =	vadd.s32 v2, v4;
	v10 =	vld [tilespmem:s23+$0xFFFFFF30];
	[tilespmem:v22+s19+$0x0] =	vst.idx.msk $0xffff, v19  }
0x1d6: {  	_ =	sdelay $0x2  }
0x1d7: {  	v19 =	vmov s28  }
0x1d8: {  	s26 =	sadd.s32 $0x1, s25;
	[tilespmem:v18+s19+$0x0] =	vst.idx.msk $0xffff, v17;
	v30 =	vld [tilespmem:s24+$0xFFFFFF40];
	v6 =	vadd.s32 v3, v6;
	s29 =	sadd.s32 $0x100, s23;
	v21 =	vmov s25;
	v31 =	vand.u32 $0x7F, v19  }
0x1d9: {  	s30 =	sadd.s32 $0x2, s25;
	v32 =	vmov s26;
	[tilespmem:v16+s19+$0x0] =	vst.idx.msk $0xffff, v15;
	v33 =	vld [tilespmem:s29+$0xFFFFFFD0];
	v21 =	vand.u32 $0x7C, v21;
	v34 =	vadd.s32 v0, v31  }
0x1da: {  	v20 =	vmov s30;
	v22 =	vld [tilespmem:s29+$0xFFFFFF10];
	v19 =	vand.u32 $0x7D, v32;
	[tilespmem:v14+s19+$0x0] =	vst.idx.msk $0xffff, v11;
	v39 =	vadd.s32 v0, v21  }
0x1db: {  	v35 =	vld [tilespmem:s29+$0xFFFFFF50];
	v20 =	vand.u32 $0x7E, v20;
	v36 =	vadd.s32 v0, v19;
	[tilespmem:v12+s19+$0x0] =	vst.idx.msk $0xffff, v9  }
0x1dc: {  	v37 =	vld [tilespmem:s29+$0xFFFFFF90];
	v38 =	vadd.s32 v0, v20;
	[tilespmem:v13+s19+$0x0] =	vst.idx.msk $0xffff, v10  }
0x1dd: {  	v41 =	vadd.s32 v2, v7;
	v40 =	vld [tilespmem:s23+$0xFFFFFF70];
	[tilespmem:v6+s19+$0x0] =	vst.idx.msk $0xffff, v30  }
0x1de: {  	v49 =	vadd.s32 v2, v5;
	v48 =	vld [tilespmem:s23+$0xFFFFFFB0];
	[tilespmem:v34+s19+$0x0] =	vst.idx.msk $0xffff, v33  }
0x1df: {  	v43 =	vadd.s32 v1, v31;
	[tilespmem:v39+s19+$0x0] =	vst.idx.msk $0xffff, v22;
	v15 =	vld [tilespmem:s29+$0xFFFFFFE0]  }
0x1e0: {  	v47 =	vadd.s32 v1, v21;
	[tilespmem:v36+s19+$0x0] =	vst.idx.msk $0xffff, v35;
	v46 =	vld [tilespmem:s29+$0xFFFFFF20]  }
0x1e1: {  	v44 =	vadd.s32 v1, v19;
	[tilespmem:v38+s19+$0x0] =	vst.idx.msk $0xffff, v37;
	v11 =	vld [tilespmem:s29+$0xFFFFFF60]  }
0x1e2: {  	v45 =	vadd.s32 v1, v20;
	[tilespmem:v41+s19+$0x0] =	vst.idx.msk $0xffff, v40;
	v9 =	vld [tilespmem:s29+$0xFFFFFFA0]  }
0x1e3: {  	v8 =	vadd.s32 v3, v8;
	v42 =	vld [tilespmem:s23+$0x0];
	[tilespmem:v49+s19+$0x0] =	vst.idx.msk $0xffff, v48  }
0x1e4: {  	v5 =	vadd.s32 v3, v5;
	v13 =	vld [tilespmem:s23+$0xFFFFFFC0];
	[tilespmem:v43+s19+$0x0] =	vst.idx.msk $0xffff, v15  }
0x1e5: {  	v52 =	vadd.s32 v2, v31;
	[tilespmem:v47+s19+$0x0] =	vst.idx.msk $0xffff, v46;
	v15 =	vld [tilespmem:s29+$0xFFFFFFF0]  }
0x1e6: {  	v57 =	vadd.s32 v2, v21;
	[tilespmem:v44+s19+$0x0] =	vst.idx.msk $0xffff, v11;
	v56 =	vld [tilespmem:s29+$0xFFFFFF30]  }
0x1e7: {  	v53 =	vadd.s32 v2, v19;
	[tilespmem:v45+s19+$0x0] =	vst.idx.msk $0xffff, v9;
	v11 =	vld [tilespmem:s29+$0xFFFFFF70]  }
0x1e8: {  	v55 =	vadd.s32 v2, v20;
	[tilespmem:v8+s19+$0x0] =	vst.idx.msk $0xffff, v42;
	v54 =	vld [tilespmem:s29+$0xFFFFFFB0]  }
0x1e9: {  	v4 =	vadd.s32 v3, v4;
	v58 =	vld [tilespmem:s23+$0xFFFFFF40];
	[tilespmem:v5+s19+$0x0] =	vst.idx.msk $0xffff, v13  }
0x1ea: {  	v51 =	vadd.s32 v3, v7;
	v50 =	vld [tilespmem:s23+$0xFFFFFF80];
	[tilespmem:v52+s19+$0x0] =	vst.idx.msk $0xffff, v15  }
0x1eb: {  	v60 =	vadd.s32 v3, v31;
	[tilespmem:v57+s19+$0x0] =	vst.idx.msk $0xffff, v56;
	v59 =	vld [tilespmem:s29+$0x0]  }
0x1ec: {  	v63 =	vadd.s32 v3, v21;
	[tilespmem:v53+s19+$0x0] =	vst.idx.msk $0xffff, v11;
	v5 =	vld [tilespmem:s29+$0xFFFFFF40]  }
0x1ed: {  	v61 =	vadd.s32 v3, v19;
	[tilespmem:v55+s19+$0x0] =	vst.idx.msk $0xffff, v54;
	v11 =	vld [tilespmem:s29+$0xFFFFFF80]  }
0x1ee: {  	v62 =	vadd.s32 v3, v20;
	[tilespmem:v4+s19+$0x0] =	vst.idx.msk $0xffff, v58;
	v6 =	vld [tilespmem:s29+$0xFFFFFFC0]  }
0x1ef: {  	[tilespmem:v51+s19+$0x0] =	vst.idx.msk $0xffff, v50  }
0x1f0: {  	[tilespmem:v60+s19+$0x0] =	vst.idx.msk $0xffff, v59  }
0x1f1: {  	[tilespmem:v63+s19+$0x0] =	vst.idx.msk $0xffff, v5  }
0x1f2: {  	[tilespmem:v61+s19+$0x0] =	vst.idx.msk $0xffff, v11  }
0x1f3: {  	s31 =	simm.s32 $0x7B00;
	[tilespmem:v62+s19+$0x0] =	vst.idx.msk $0xffff, v6  }
0x1f4: {  	[hbm4b:s9+s3] =	stream.linear.scatter [tilespmem:s31], [sflag:$0x4], $0x80, $0x38;
	[tilespmem:$0x9D00] =	vst v63  }
0x1f5: {  	s24 =	simm.s32 $0x7B88;
	s25 =	sadd.s32 $0x10, s9  }
0x1f6: {  	[hbm4b:s25+s3] =	stream.linear.scatter [tilespmem:s24], [sflag:$0x4], $0x80, $0x38;
	[tilespmem:$0x9D00] =	vst v63  }
0x1f7: {  	s28 =	sadd.s32 $0x70, s9;
	s26 =	simm.s32 $0x7C10;
	s29 =	sadd.s32 $0x20, s9  }
0x1f8: {  	[hbm4b:s29+s3] =	stream.linear.scatter [tilespmem:s26], [sflag:$0x4], $0x80, $0x38;
	[tilespmem:$0x9D00] =	vst v63  }
0x1f9: {  	s30 =	simm.s32 $0x7C98;
	s23 =	simm.s32 $0x440;
	s31 =	sadd.s32 $0x30, s9  }
0x1fa: {  	[hbm4b:s31+s3] =	stream.linear.scatter [tilespmem:s30], [sflag:$0x4], $0x80, $0x38;
	[tilespmem:$0x9D00] =	vst v63  }
0x1fb: {  	s24 =	simm.s32 $0x7D20;
	s25 =	sadd.s32 $0x40, s9;
	s26 =	simm.s32 $0x7DA8  }
0x1fc: {  	[hbm4b:s25+s3] =	stream.linear.scatter [tilespmem:s24], [sflag:$0x4], $0x80, $0x38;
	[tilespmem:$0x9D00] =	vst v63  }
0x1fd: {  	s29 =	sadd.s32 $0x50, s9;
	s30 =	simm.s32 $0x7E30;
	s31 =	sadd.s32 $0x60, s9  }
0x1fe: {  	[hbm4b:s29+s3] =	stream.linear.scatter [tilespmem:s26], [sflag:$0x4], $0x80, $0x38;
	[tilespmem:$0x9D00] =	vst v63  }
0x1ff: {  	s25 =	simm.s32 $0x2200;
	s24 =	sadd.s32 $0x1000, s9;
	s26 =	simm.s32 $0x7EB8  }
0x200: {  	[hbm4b:s31+s3] =	stream.linear.scatter [tilespmem:s30], [sflag:$0x4], $0x80, $0x38;
	[tilespmem:$0x9D00] =	vst v63  }
.LBB2_18:
0x201: {  	[hbm4b:s28+s3] =	stream.linear.scatter [tilespmem:s26], [sflag:$0x4], $0x80, $0x38;
	[tilespmem:$0x9D00] =	vst v63  }
0x202: {  	s26 =	smov.u32 s23;
	s23 =	smov.u32 s25  }
0x203: {  	s29 =	sadd.s32 $0x1100, s25;
	s23 =	sshra.s32 s23, $0x2;
	s28 =	sadd.s32 $0x7B00, s26  }
0x204: {  	[hbm4b:s24+s3] =	stream.linear.scatter [tilespmem:s28], [sflag:$0x4], $0x80, $0x38;
	[tilespmem:$0x9D00] =	vst v63  }
0x205: {  	p0 =	sne.s32 s25, $0x7700;
	s25 =	sadd.s32 $0x7B88, s26;
	s28 =	sadd.s32 $0x10, s24  }
0x206: {  	[hbm4b:s28+s3] =	stream.linear.scatter [tilespmem:s25], [sflag:$0x4], $0x80, $0x38;
	[tilespmem:$0x9D00] =	vst v63  }
0x207: {  	s25 =	sadd.s32 $0x7C10, s26;
	s28 =	sadd.s32 $0x20, s24  }
0x208: {  	[hbm4b:s28+s3] =	stream.linear.scatter [tilespmem:s25], [sflag:$0x4], $0x80, $0x38;
	[tilespmem:$0x9D00] =	vst v63  }
0x209: {  	s25 =	sadd.s32 $0x7C98, s26;
	s28 =	sadd.s32 $0x30, s24  }
0x20a: {  	[hbm4b:s28+s3] =	stream.linear.scatter [tilespmem:s25], [sflag:$0x4], $0x80, $0x38;
	[tilespmem:$0x9D00] =	vst v63  }
0x20b: {  	s25 =	sadd.s32 $0x7D20, s26;
	s28 =	sadd.s32 $0x40, s24  }
0x20c: {  	[hbm4b:s28+s3] =	stream.linear.scatter [tilespmem:s25], [sflag:$0x4], $0x80, $0x38;
	[tilespmem:$0x9D00] =	vst v63  }
.Ltmp8:
0x20d: {  	s25 =	sadd.s32 $0x7DA8, s26;
	s28 =	sadd.s32 $0x50, s24;
	(pc) =	sbr.rel @p0 .LBB2_18-.Ltmp8, $4  }
0x20e: {  	[hbm4b:s28+s3] =	stream.linear.scatter [tilespmem:s25], [sflag:$0x4], $0x80, $0x38;
	[tilespmem:$0x9D00] =	vst v63  }
0x20f: {  	s25 =	sadd.s32 $0x7E30, s26;
	s28 =	sadd.s32 $0x60, s24;
	s26 =	sadd.s32 $0x7EB8, s26  }
0x210: {  	[hbm4b:s28+s3] =	stream.linear.scatter [tilespmem:s25], [sflag:$0x4], $0x80, $0x38;
	[tilespmem:$0x9D00] =	vst v63  }
0x211: {  	s28 =	sadd.s32 $0x70, s24;
	s24 =	sadd.s32 $0x1000, s24;
	s25 =	smov.u32 s29  }
0x212: {  	[hbm4b:s28+s3] =	stream.linear.scatter [tilespmem:s26], [sflag:$0x4], $0x80, $0x38;
	[tilespmem:$0x9D00] =	vst v63  }
0x213: {  	s25 =	sadd.s32 $0x7B00, s23  }
0x214: {  	[hbm4b:s24+s3] =	stream.linear.scatter [tilespmem:s25], [sflag:$0x4], $0x80, $0x38;
	[tilespmem:$0x9D00] =	vst v63  }
0x215: {  	s30 =	sadd.s32 $0x7B88, s23;
	s31 =	sadd.s32 $0x10, s24  }
0x216: {  	[hbm4b:s31+s3] =	stream.linear.scatter [tilespmem:s30], [sflag:$0x4], $0x80, $0x38;
	[tilespmem:$0x9D00] =	vst v63  }
0x217: {  	s28 =	sadd.s32 $0x7C10, s23;
	s29 =	sadd.s32 $0x20, s24  }
0x218: {  	[hbm4b:s29+s3] =	stream.linear.scatter [tilespmem:s28], [sflag:$0x4], $0x80, $0x38;
	[tilespmem:$0x9D00] =	vst v63  }
0x219: {  	s30 =	sadd.s32 $0x7C98, s23;
	s31 =	sadd.s32 $0x30, s24  }
0x21a: {  	[hbm4b:s31+s3] =	stream.linear.scatter [tilespmem:s30], [sflag:$0x4], $0x80, $0x38;
	[tilespmem:$0x9D00] =	vst v63  }
0x21b: {  	s28 =	sadd.s32 $0x7D20, s23;
	s29 =	sadd.s32 $0x40, s24  }
0x21c: {  	[hbm4b:s29+s3] =	stream.linear.scatter [tilespmem:s28], [sflag:$0x4], $0x80, $0x38;
	[tilespmem:$0x9D00] =	vst v63  }
0x21d: {  	s30 =	sadd.s32 $0x7DA8, s23;
	s31 =	sadd.s32 $0x50, s24  }
0x21e: {  	[hbm4b:s31+s3] =	stream.linear.scatter [tilespmem:s30], [sflag:$0x4], $0x80, $0x38;
	[tilespmem:$0x9D00] =	vst v63  }
0x21f: {  	s28 =	sadd.s32 $0x7E30, s23;
	s29 =	sadd.s32 $0x60, s24  }
0x220: {  	[hbm4b:s29+s3] =	stream.linear.scatter [tilespmem:s28], [sflag:$0x4], $0x80, $0x38;
	[tilespmem:$0x9D00] =	vst v63  }
0x221: {  	s22 =	sadd.s32 $0x1, s22;
	s30 =	sadd.s32 $0x7EB8, s23;
	s31 =	sadd.s32 $0x70, s24  }
0x222: {  	[hbm4b:s31+s3] =	stream.linear.scatter [tilespmem:s30], [sflag:$0x4], $0x80, $0x38;
	[tilespmem:$0x9D00] =	vst v63  }
0x223: {  	p0 =	sne.s32 s22, s10;
	_ =	swait.ge [sflag:s20], $0x2000  }
.Ltmp9:
0x224: {  	[sflag:s20] =	ssyncset.done $0x0;
	(pc) =	sbr.rel @p0 .LBB2_1-.Ltmp9, $4  }
0x225: {  	[sflag:s20] =	ssyncadd.s32 $0xFFFFE000  }
0x226: {  	_ =	swait.ge [sflag:s21], $0x2000  }
0x227: {  	[sflag:s21] =	ssyncset.done $0x0  }
0x228: {  	[sflag:s21] =	ssyncadd.s32 $0xFFFFE000  }
0x229: {  	_ =	sfence.sel $0x180000  }
0x22a: {  	[bflag:$0x0] =	sbarrier.arrive $0xFFFF  }
0x22b: {  	p0 =	sne.s32 s0, $0x0;
	_ =	strace $0x90000047  }
0x22c: {  	s0 =	sadd.s32 @!p0 $0x100000, s1;
	[bflag:$0x2] =	sbarrier.arrive $0xFFFF  }
0x22d: {  	[sflag:s0] =	ssyncadd.tile.s32 @!p0 $0x1;
	_ =	shalt  }
.Lfunc_end2:
_tile_overlayer_lowered:
.L_overlay_start_2:
0x22e: {  	(tag) =	ssettag $0x2  }
0x22f: {  	s0 =	rddreg [dreg:$0x0];
	s2 =	stileid.u32  }
0x230: {  	s1 =	rddreg [dreg:$0x1];
	p0 =	sne.s32 s2, $0x0  }
0x231: {  	s3 =	rddreg [dreg:$0x2];
	[bflag:$0x3] =	sbarrier.arrive $0xFFFF;
	s2 =	simm.s32 @!p0 $0x1C05  }
0x232: {  	[timem:s3], [sflag:s2] =	dma.local @!p0 [hbm:s0], s1  }
0x233: {  	s0 =	simm.s32 @!p0 $0x5  }
0x234: {  	_ =	swait.ge @!p0 [sflag:s0], s1  }
0x235: {  	s1 =	ssub.s32 @!p0 $0x0, s1;
	[sflag:s0] =	ssyncset.done @!p0 $0x0  }
0x236: {  	[sflag:s0] =	ssyncadd.s32 @!p0 s1  }
0x237: {  	[bflag:$0x3] =	sbarrier.arrive $0xFFFF  }
0x238: {  	_ =	shalt  }

</sc_bundles>
